<compile_context>
chip_gen: v7x
topology: tpu7x:2x2x1
jax: 0.10.2.dev20260603
libtpu: 0.0.44.dev20260713+nightly
codegen_flags: <defaults>
</compile_context>

<pallas_src>
import jax
import jax.numpy as jnp
from jax import lax
from jax.experimental import pallas as pl
from jax.experimental.pallas import tpu as pltpu
from jax.experimental.pallas import tpu_sc as plsc

N = 10000
E = 320000
D = 128
G = 256

NC = 2
NS = 16
CH = 128
NCHUNKS = E // CH
COMMON = NCHUNKS // (NC * NS)
EXTRA = NCHUNKS - COMMON * NC * NS
NBUF = 3
RPT = 624


def _sc_body(x_hbm, ei_hbm, agg_hbm, *rest):
    ibuf = rest[:2 * NBUF]
    isem = rest[2 * NBUF:4 * NBUF]
    rows = rest[4 * NBUF:5 * NBUF]
    gsem = rest[5 * NBUF:6 * NBUF]
    ssem = rest[6 * NBUF:7 * NBUF]
    acc = rest[7 * NBUF]
    c = lax.axis_index("c")
    s = lax.axis_index("s")
    t = c * NS + s
    base = t * COMMON

    def _e(j):
        return pl.multiple_of((base + j) * CH, CH)

    def _i(j, p, b):
        return pltpu.make_async_copy(ei_hbm.at[:, pl.ds(_e(j), CH)],
                                     ibuf[p * NBUF + b], isem[p * NBUF + b])

    def _g(j, p, b):
        return pltpu.make_async_copy(x_hbm.at[ibuf[p * NBUF + b].at[0]],
                                     rows[b], gsem[b])

    def _s(j, p, b):
        return pltpu.make_async_copy(rows[b], acc.at[ibuf[p * NBUF + b].at[1]],
                                     ssem[b])

    for b in range(NBUF):
        _i(b, 0, b).start()

    def _zfill(i, carry):
        for b in range(NBUF):
            for j in range(D // 16):
                rows[b][i, pl.ds(j * 16, 16)] = jnp.zeros((16,), jnp.float32)
        return carry
    lax.fori_loop(0, CH, _zfill, 0)
    row0 = s * RPT
    for k in range(RPT // CH):
        pltpu.sync_copy(rows[k % NBUF], acc.at[pl.ds(row0 + k * CH, CH)])
    pltpu.sync_copy(rows[0].at[pl.ds(0, RPT - (RPT // CH) * CH)],
                    acc.at[pl.ds(row0 + (RPT // CH) * CH,
                                 RPT - (RPT // CH) * CH)])

    @pl.when(s == NS - 1)
    def _():
        left = N - NS * RPT
        pltpu.sync_copy(rows[0].at[pl.ds(0, left)],
                        acc.at[pl.ds(NS * RPT, left)])

    for b in range(NBUF):
        _i(b, 0, b).wait()
        _g(b, 0, b).start()
    plsc.subcore_barrier()

    def _one_group(g, par, prefetch):
        j0 = g * NBUF
        for b in range(NBUF):
            _g(j0 + b, par, b).wait()
            _s(j0 + b, par, b).start(add=True)
            if prefetch:
                _i(j0 + NBUF + b, 1 - par, b).start()
        for b in range(NBUF):
            _s(j0 + b, par, b).wait()
            if prefetch:
                _i(j0 + NBUF + b, 1 - par, b).wait()
                _g(j0 + NBUF + b, 1 - par, b).start()

    def _pair(k2, carry):
        _one_group(2 * k2, 0, True)
        _one_group(2 * k2 + 1, 1, True)
        return carry
    NG = COMMON // NBUF
    lax.fori_loop(0, NG // 2 - 1, _pair, 0)
    _one_group(NG - 2, 0, True)
    _one_group(NG - 1, 1, False)

    @pl.when(s < EXTRA // NC)
    def _():
        off = pl.multiple_of(
            (NC * NS * COMMON) * CH + (c * (EXTRA // NC) + s) * CH, CH)
        pltpu.sync_copy(ei_hbm.at[:, pl.ds(off, CH)], ibuf[0])
        _g(0, 0, 0).start()
        _g(0, 0, 0).wait()
        pltpu.sync_copy(rows[0], acc.at[ibuf[0].at[1]], add=True)

    plsc.subcore_barrier()

    pltpu.sync_copy(acc.at[pl.ds(row0, RPT)], agg_hbm.at[c, pl.ds(row0, RPT)])

    @pl.when(s == NS - 1)
    def _():
        left = N - NS * RPT
        pltpu.sync_copy(acc.at[pl.ds(NS * RPT, left)],
                        agg_hbm.at[c, pl.ds(NS * RPT, left)])


@jax.jit
def _sc_scatter(x, edge_index):
    mesh = plsc.VectorSubcoreMesh(core_axis_name="c", subcore_axis_name="s")
    scratch = [pltpu.VMEM((2, CH), jnp.int32) for _ in range(2 * NBUF)]
    scratch += [pltpu.SemaphoreType.DMA for _ in range(2 * NBUF)]
    scratch += [pltpu.VMEM((CH, D), jnp.float32) for _ in range(NBUF)]
    scratch += [pltpu.SemaphoreType.DMA for _ in range(2 * NBUF)]
    scratch += [pltpu.MemorySpace.VMEM_SHARED((N, D), jnp.float32)]
    return pl.kernel(
        _sc_body,
        out_type=jax.ShapeDtypeStruct((NC, N, D), jnp.float32),
        mesh=mesh,
        scratch_types=scratch,
    )(x, edge_index)


BLK = 2000
NBLK = N // BLK


def _tc_body(agg_ref, x_ref, batch_ref, wn_ref, wr_ref, b_ref, out_ref):
    i = pl.program_id(0)
    a = (agg_ref[0] + agg_ref[1]).astype(jnp.bfloat16)
    h = jnp.dot(a, wn_ref[...].astype(jnp.bfloat16),
                preferred_element_type=jnp.float32)
    h = h + jnp.dot(x_ref[...].astype(jnp.bfloat16),
                    wr_ref[...].astype(jnp.bfloat16),
                    preferred_element_type=jnp.float32)
    h = jnp.maximum(h + b_ref[...], 0.0)
    bt = batch_ref[0, 0, :]
    gid = lax.broadcasted_iota(jnp.int32, (G, BLK), 0)
    onehot = jnp.where(gid == bt[None, :], 1.0, 0.0).astype(jnp.bfloat16)
    p = jnp.dot(onehot, h.astype(jnp.bfloat16),
                preferred_element_type=jnp.float32)

    @pl.when(i == 0)
    def _():
        out_ref[...] = p

    @pl.when(i > 0)
    def _():
        out_ref[...] += p


@jax.jit
def _tc_combine(agg2, x, batch3, W_nbr, W_root, b2):
    return pl.pallas_call(
        _tc_body,
        grid=(NBLK,),
        in_specs=[
            pl.BlockSpec((NC, BLK, D), lambda i: (0, i, 0)),
            pl.BlockSpec((BLK, D), lambda i: (i, 0)),
            pl.BlockSpec((1, 1, BLK), lambda i: (i, 0, 0)),
            pl.BlockSpec((D, D), lambda i: (0, 0)),
            pl.BlockSpec((D, D), lambda i: (0, 0)),
            pl.BlockSpec((1, D), lambda i: (0, 0)),
        ],
        out_specs=pl.BlockSpec((G, D), lambda i: (0, 0)),
        out_shape=jax.ShapeDtypeStruct((G, D), jnp.float32),
    )(agg2, x, batch3, W_nbr, W_root, b2)


def kernel(x, edge_index, batch, W_nbr, W_root, b):
    agg2 = _sc_scatter(x, edge_index)
    batch3 = batch.reshape(NBLK, 1, BLK)
    b2 = b.reshape(1, D)
    return _tc_combine(agg2, x, batch3, W_nbr, W_root, b2)

# --- scband reference (transcript-rebuilt; emitter-appended) ---
"""Pipeline reference for scband-gnn-45792941310122 (READ-ONLY COPY).

The authoritative reference and input builder live on the scoring server;
editing this copy changes nothing except your own understanding.
"""

import jax, jax.numpy as jnp
import numpy as np

N = 10000   # n_nodes
E = 320000  # n_edges
D = 128     # d_feat (in=out channels)
G = 256     # number of graphs in the batch

def setup_inputs(seed: int = 0) -> dict:
    key = jax.random.key(seed)
    k1, k2, k3, k4, k5 = jax.random.split(key, 5)
    x = jax.random.normal(k1, (N, D), dtype=jnp.float32)
    edge_index = jax.random.randint(k2, (2, E), 0, N, dtype=jnp.int32)
    batch = jnp.sort(jax.random.randint(k3, (N,), 0, G, dtype=jnp.int32))
    # Parameters of the inner gnn_model (a single GraphConv-style layer, 128->128)
    W_nbr = jax.random.normal(k4, (D, D), dtype=jnp.float32) * 0.05
    W_root = jax.random.normal(k5, (D, D), dtype=jnp.float32) * 0.05
    b = jnp.zeros((D,), dtype=jnp.float32)
    return {"x": x, "edge_index": edge_index, "batch": batch,
            "W_nbr": W_nbr, "W_root": W_root, "b": b}

def reference(x, edge_index, batch, W_nbr, W_root, b):
    # gnnForward: GraphConv-style message passing
    #   h_i = relu( sum_{j in N(i)} x_j @ W_nbr + x_i @ W_root + b )
    src = edge_index[0]
    dst = edge_index[1]
    msgs = jnp.take(x, src, axis=0) @ W_nbr          # gather + matmul
    agg = jax.ops.segment_sum(msgs, dst, num_segments=N)  # scatter-add
    h = jax.nn.relu(agg + x @ W_root + b)
    # graphPooling with gp_agg='sum': scatter(h, batch, reduce='sum')
    pooled = jax.ops.segment_sum(h, batch, num_segments=G)
    # ffn_model=None, tabular_x=None, fusion_model=None -> return pooled directly
    return pooled

if __name__ == "__main__":
    import jax
    _d = setup_inputs()
    print(jax.jit(kernel)(*tuple(_d.values())))

</pallas_src>

<mosaic_0001>
#map = affine_map<(d0, d1) -> (0, 0)>
#map1 = affine_map<(d0, d1) -> (0, 0, 0)>
module attributes {stable_mosaic.version = 14 : i64} {
  func.func @_sc_body(%arg0: i32, %arg1: i32, %arg2: memref<10000x128xf32, #tpu.memory_space<hbm>>, %arg3: memref<2x320000xi32, #tpu.memory_space<hbm>>, %arg4: memref<2x10000x128xf32, #tpu.memory_space<hbm>>, %arg5: memref<2x128xi32, #tpu.memory_space<vmem>>, %arg6: memref<2x128xi32, #tpu.memory_space<vmem>>, %arg7: memref<2x128xi32, #tpu.memory_space<vmem>>, %arg8: memref<2x128xi32, #tpu.memory_space<vmem>>, %arg9: memref<2x128xi32, #tpu.memory_space<vmem>>, %arg10: memref<2x128xi32, #tpu.memory_space<vmem>>, %arg11: memref<!tpu.dma_semaphore, #tpu.memory_space<semaphore_mem>>, %arg12: memref<!tpu.dma_semaphore, #tpu.memory_space<semaphore_mem>>, %arg13: memref<!tpu.dma_semaphore, #tpu.memory_space<semaphore_mem>>, %arg14: memref<!tpu.dma_semaphore, #tpu.memory_space<semaphore_mem>>, %arg15: memref<!tpu.dma_semaphore, #tpu.memory_space<semaphore_mem>>, %arg16: memref<!tpu.dma_semaphore, #tpu.memory_space<semaphore_mem>>, %arg17: memref<128x128xf32, #tpu.memory_space<vmem>>, %arg18: memref<128x128xf32, #tpu.memory_space<vmem>>, %arg19: memref<128x128xf32, #tpu.memory_space<vmem>>, %arg20: memref<!tpu.dma_semaphore, #tpu.memory_space<semaphore_mem>>, %arg21: memref<!tpu.dma_semaphore, #tpu.memory_space<semaphore_mem>>, %arg22: memref<!tpu.dma_semaphore, #tpu.memory_space<semaphore_mem>>, %arg23: memref<!tpu.dma_semaphore, #tpu.memory_space<semaphore_mem>>, %arg24: memref<!tpu.dma_semaphore, #tpu.memory_space<semaphore_mem>>, %arg25: memref<!tpu.dma_semaphore, #tpu.memory_space<semaphore_mem>>, %arg26: memref<10000x128xf32, #tpu.memory_space<vmem_shared>>) attributes {dimension_semantics = [#tpu.dimension_semantics<core_parallel>, #tpu.dimension_semantics<subcore_parallel>], iteration_bounds = array<i64: 2, 16>, scalar_prefetch = 0 : i64, scratch_operands = 22 : i64, tpu.core_type = #tpu.core_type<sc_vector_subcore>, window_params = [{transform_indices = #map}, {transform_indices = #map}, {transform_indices = #map1}]} {
    %mul3A = arith.constant 16 : i32
    %mul3A_0 = arith.muli %arg0, %mul3A : i32
    %add3A = arith.addi %mul3A_0, %arg1 : i32
    %mul3A_1 = arith.constant 78 : i32
    %mul3A_2 = arith.muli %add3A, %mul3A_1 : i32
    %add3A_3 = arith.constant 0 : i32
    %add3A_4 = arith.addi %mul3A_2, %add3A_3 : i32
    %mul3A_5 = arith.constant 128 : i32
    %mul3A_6 = arith.muli %add3A_4, %mul3A_5 : i32
    %multiple_of3A = tpu.assume_multiple %mul3A_6, 128 : i32
    %dma_start3A = arith.constant 0 : i32
    %dma_start3A_7 = tpu.memref_slice %arg3[%dma_start3A, %multiple_of3A] : memref<2x320000xi32, #tpu.memory_space<hbm>> -> memref<2x128xi32, #tpu.memory_space<hbm>>
    %dma_start3A_8 = arith.constant 0 : i32
    %dma_start3A_9 = tpu.memref_slice %arg3[%dma_start3A_8, %multiple_of3A] : memref<2x320000xi32, #tpu.memory_space<hbm>> -> memref<2x128xi32, #tpu.memory_space<hbm>>
    tpu.enqueue_dma source(%dma_start3A_9 : memref<2x128xi32, #tpu.memory_space<hbm>>) target(%arg5 : memref<2x128xi32, #tpu.memory_space<vmem>>) target_semaphore(%arg11 : memref<!tpu.dma_semaphore, #tpu.memory_space<semaphore_mem>>)
    %add3A_10 = arith.constant 1 : i32
    %add3A_11 = arith.addi %mul3A_2, %add3A_10 : i32
    %mul3A_12 = arith.constant 128 : i32
    %mul3A_13 = arith.muli %add3A_11, %mul3A_12 : i32
    %multiple_of3A_14 = tpu.assume_multiple %mul3A_13, 128 : i32
    %dma_start3A_15 = arith.constant 0 : i32
    %dma_start3A_16 = tpu.memref_slice %arg3[%dma_start3A_15, %multiple_of3A_14] : memref<2x320000xi32, #tpu.memory_space<hbm>> -> memref<2x128xi32, #tpu.memory_space<hbm>>
    %dma_start3A_17 = arith.constant 0 : i32
    %dma_start3A_18 = tpu.memref_slice %arg3[%dma_start3A_17, %multiple_of3A_14] : memref<2x320000xi32, #tpu.memory_space<hbm>> -> memref<2x128xi32, #tpu.memory_space<hbm>>
    tpu.enqueue_dma source(%dma_start3A_18 : memref<2x128xi32, #tpu.memory_space<hbm>>) target(%arg6 : memref<2x128xi32, #tpu.memory_space<vmem>>) target_semaphore(%arg12 : memref<!tpu.dma_semaphore, #tpu.memory_space<semaphore_mem>>)
    %add3A_19 = arith.constant 2 : i32
    %add3A_20 = arith.addi %mul3A_2, %add3A_19 : i32
    %mul3A_21 = arith.constant 128 : i32
    %mul3A_22 = arith.muli %add3A_20, %mul3A_21 : i32
    %multiple_of3A_23 = tpu.assume_multiple %mul3A_22, 128 : i32
    %dma_start3A_24 = arith.constant 0 : i32
    %dma_start3A_25 = tpu.memref_slice %arg3[%dma_start3A_24, %multiple_of3A_23] : memref<2x320000xi32, #tpu.memory_space<hbm>> -> memref<2x128xi32, #tpu.memory_space<hbm>>
    %dma_start3A_26 = arith.constant 0 : i32
    %dma_start3A_27 = tpu.memref_slice %arg3[%dma_start3A_26, %multiple_of3A_23] : memref<2x320000xi32, #tpu.memory_space<hbm>> -> memref<2x128xi32, #tpu.memory_space<hbm>>
    tpu.enqueue_dma source(%dma_start3A_27 : memref<2x128xi32, #tpu.memory_space<hbm>>) target(%arg7 : memref<2x128xi32, #tpu.memory_space<vmem>>) target_semaphore(%arg13 : memref<!tpu.dma_semaphore, #tpu.memory_space<semaphore_mem>>)
    %scan3A = arith.constant 0 : i32
    %scan3A_28 = arith.constant 0 : i32
    %scan3A_29 = arith.constant 128 : i32
    %scan3A_30 = arith.addi %scan3A_28, %scan3A_29 : i32
    %scan3A_31 = arith.constant 1 : i32
    scf.for %scan3A_311 = %scan3A_28 to %scan3A_30 step %scan3A_31  : i32 {
      %broadcast_in_dim3A = arith.constant 0.000000e+00 : f32
      %broadcast_in_dim3A_312 = vector.broadcast %broadcast_in_dim3A : f32 to vector<16xf32>
      %swap3A = arith.index_cast %scan3A_311 : i32 to index
      %swap3A_313 = arith.constant 0 : index
      %swap3A_314 = tpu.vector_load %arg17[%swap3A, %swap3A_313] {strides = array<i32>} : memref<128x128xf32, #tpu.memory_space<vmem>>, vector<1x16xf32>,
      %swap3A_315 = vector.shape_cast %swap3A_314 : vector<1x16xf32> to vector<16xf32>
      %swap3A_316 = vector.shape_cast %broadcast_in_dim3A_312 : vector<16xf32> to vector<1x16xf32>
      tpu.vector_store %arg17[%swap3A, %swap3A_313], %swap3A_316 {strides = array<i32>} : memref<128x128xf32, #tpu.memory_space<vmem>>, vector<1x16xf32>,
      %broadcast_in_dim3A_317 = arith.constant 0.000000e+00 : f32
      %broadcast_in_dim3A_318 = vector.broadcast %broadcast_in_dim3A_317 : f32 to vector<16xf32>
      %swap3A_319 = arith.index_cast %scan3A_311 : i32 to index
      %swap3A_320 = arith.constant 16 : index
      %swap3A_321 = tpu.vector_load %arg17[%swap3A_319, %swap3A_320] {strides = array<i32>} : memref<128x128xf32, #tpu.memory_space<vmem>>, vector<1x16xf32>,
      %swap3A_322 = vector.shape_cast %swap3A_321 : vector<1x16xf32> to vector<16xf32>
      %swap3A_323 = vector.shape_cast %broadcast_in_dim3A_318 : vector<16xf32> to vector<1x16xf32>
      tpu.vector_store %arg17[%swap3A_319, %swap3A_320], %swap3A_323 {strides = array<i32>} : memref<128x128xf32, #tpu.memory_space<vmem>>, vector<1x16xf32>,
      %broadcast_in_dim3A_324 = arith.constant 0.000000e+00 : f32
      %broadcast_in_dim3A_325 = vector.broadcast %broadcast_in_dim3A_324 : f32 to vector<16xf32>
      %swap3A_326 = arith.index_cast %scan3A_311 : i32 to index
      %swap3A_327 = arith.constant 32 : index
      %swap3A_328 = tpu.vector_load %arg17[%swap3A_326, %swap3A_327] {strides = array<i32>} : memref<128x128xf32, #tpu.memory_space<vmem>>, vector<1x16xf32>,
      %swap3A_329 = vector.shape_cast %swap3A_328 : vector<1x16xf32> to vector<16xf32>
      %swap3A_330 = vector.shape_cast %broadcast_in_dim3A_325 : vector<16xf32> to vector<1x16xf32>
      tpu.vector_store %arg17[%swap3A_326, %swap3A_327], %swap3A_330 {strides = array<i32>} : memref<128x128xf32, #tpu.memory_space<vmem>>, vector<1x16xf32>,
      %broadcast_in_dim3A_331 = arith.constant 0.000000e+00 : f32
      %broadcast_in_dim3A_332 = vector.broadcast %broadcast_in_dim3A_331 : f32 to vector<16xf32>
      %swap3A_333 = arith.index_cast %scan3A_311 : i32 to index
      %swap3A_334 = arith.constant 48 : index
      %swap3A_335 = tpu.vector_load %arg17[%swap3A_333, %swap3A_334] {strides = array<i32>} : memref<128x128xf32, #tpu.memory_space<vmem>>, vector<1x16xf32>,
      %swap3A_336 = vector.shape_cast %swap3A_335 : vector<1x16xf32> to vector<16xf32>
      %swap3A_337 = vector.shape_cast %broadcast_in_dim3A_332 : vector<16xf32> to vector<1x16xf32>
      tpu.vector_store %arg17[%swap3A_333, %swap3A_334], %swap3A_337 {strides = array<i32>} : memref<128x128xf32, #tpu.memory_space<vmem>>, vector<1x16xf32>,
      %broadcast_in_dim3A_338 = arith.constant 0.000000e+00 : f32
      %broadcast_in_dim3A_339 = vector.broadcast %broadcast_in_dim3A_338 : f32 to vector<16xf32>
      %swap3A_340 = arith.index_cast %scan3A_311 : i32 to index
      %swap3A_341 = arith.constant 64 : index
      %swap3A_342 = tpu.vector_load %arg17[%swap3A_340, %swap3A_341] {strides = array<i32>} : memref<128x128xf32, #tpu.memory_space<vmem>>, vector<1x16xf32>,
      %swap3A_343 = vector.shape_cast %swap3A_342 : vector<1x16xf32> to vector<16xf32>
      %swap3A_344 = vector.shape_cast %broadcast_in_dim3A_339 : vector<16xf32> to vector<1x16xf32>
      tpu.vector_store %arg17[%swap3A_340, %swap3A_341], %swap3A_344 {strides = array<i32>} : memref<128x128xf32, #tpu.memory_space<vmem>>, vector<1x16xf32>,
      %broadcast_in_dim3A_345 = arith.constant 0.000000e+00 : f32
      %broadcast_in_dim3A_346 = vector.broadcast %broadcast_in_dim3A_345 : f32 to vector<16xf32>
      %swap3A_347 = arith.index_cast %scan3A_311 : i32 to index
      %swap3A_348 = arith.constant 80 : index
      %swap3A_349 = tpu.vector_load %arg17[%swap3A_347, %swap3A_348] {strides = array<i32>} : memref<128x128xf32, #tpu.memory_space<vmem>>, vector<1x16xf32>,
      %swap3A_350 = vector.shape_cast %swap3A_349 : vector<1x16xf32> to vector<16xf32>
      %swap3A_351 = vector.shape_cast %broadcast_in_dim3A_346 : vector<16xf32> to vector<1x16xf32>
      tpu.vector_store %arg17[%swap3A_347, %swap3A_348], %swap3A_351 {strides = array<i32>} : memref<128x128xf32, #tpu.memory_space<vmem>>, vector<1x16xf32>,
      %broadcast_in_dim3A_352 = arith.constant 0.000000e+00 : f32
      %broadcast_in_dim3A_353 = vector.broadcast %broadcast_in_dim3A_352 : f32 to vector<16xf32>
      %swap3A_354 = arith.index_cast %scan3A_311 : i32 to index
      %swap3A_355 = arith.constant 96 : index
      %swap3A_356 = tpu.vector_load %arg17[%swap3A_354, %swap3A_355] {strides = array<i32>} : memref<128x128xf32, #tpu.memory_space<vmem>>, vector<1x16xf32>,
      %swap3A_357 = vector.shape_cast %swap3A_356 : vector<1x16xf32> to vector<16xf32>
      %swap3A_358 = vector.shape_cast %broadcast_in_dim3A_353 : vector<16xf32> to vector<1x16xf32>
      tpu.vector_store %arg17[%swap3A_354, %swap3A_355], %swap3A_358 {strides = array<i32>} : memref<128x128xf32, #tpu.memory_space<vmem>>, vector<1x16xf32>,
      %broadcast_in_dim3A_359 = arith.constant 0.000000e+00 : f32
      %broadcast_in_dim3A_360 = vector.broadcast %broadcast_in_dim3A_359 : f32 to vector<16xf32>
      %swap3A_361 = arith.index_cast %scan3A_311 : i32 to index
      %swap3A_362 = arith.constant 112 : index
      %swap3A_363 = tpu.vector_load %arg17[%swap3A_361, %swap3A_362] {strides = array<i32>} : memref<128x128xf32, #tpu.memory_space<vmem>>, vector<1x16xf32>,
      %swap3A_364 = vector.shape_cast %swap3A_363 : vector<1x16xf32> to vector<16xf32>
      %swap3A_365 = vector.shape_cast %broadcast_in_dim3A_360 : vector<16xf32> to vector<1x16xf32>
      tpu.vector_store %arg17[%swap3A_361, %swap3A_362], %swap3A_365 {strides = array<i32>} : memref<128x128xf32, #tpu.memory_space<vmem>>, vector<1x16xf32>,
      %broadcast_in_dim3A_366 = arith.constant 0.000000e+00 : f32
      %broadcast_in_dim3A_367 = vector.broadcast %broadcast_in_dim3A_366 : f32 to vector<16xf32>
      %swap3A_368 = arith.index_cast %scan3A_311 : i32 to index
      %swap3A_369 = arith.constant 0 : index
      %swap3A_370 = tpu.vector_load %arg18[%swap3A_368, %swap3A_369] {strides = array<i32>} : memref<128x128xf32, #tpu.memory_space<vmem>>, vector<1x16xf32>,
      %swap3A_371 = vector.shape_cast %swap3A_370 : vector<1x16xf32> to vector<16xf32>
      %swap3A_372 = vector.shape_cast %broadcast_in_dim3A_367 : vector<16xf32> to vector<1x16xf32>
      tpu.vector_store %arg18[%swap3A_368, %swap3A_369], %swap3A_372 {strides = array<i32>} : memref<128x128xf32, #tpu.memory_space<vmem>>, vector<1x16xf32>,
      %broadcast_in_dim3A_373 = arith.constant 0.000000e+00 : f32
      %broadcast_in_dim3A_374 = vector.broadcast %broadcast_in_dim3A_373 : f32 to vector<16xf32>
      %swap3A_375 = arith.index_cast %scan3A_311 : i32 to index
      %swap3A_376 = arith.constant 16 : index
      %swap3A_377 = tpu.vector_load %arg18[%swap3A_375, %swap3A_376] {strides = array<i32>} : memref<128x128xf32, #tpu.memory_space<vmem>>, vector<1x16xf32>,
      %swap3A_378 = vector.shape_cast %swap3A_377 : vector<1x16xf32> to vector<16xf32>
      %swap3A_379 = vector.shape_cast %broadcast_in_dim3A_374 : vector<16xf32> to vector<1x16xf32>
      tpu.vector_store %arg18[%swap3A_375, %swap3A_376], %swap3A_379 {strides = array<i32>} : memref<128x128xf32, #tpu.memory_space<vmem>>, vector<1x16xf32>,
      %broadcast_in_dim3A_380 = arith.constant 0.000000e+00 : f32
      %broadcast_in_dim3A_381 = vector.broadcast %broadcast_in_dim3A_380 : f32 to vector<16xf32>
      %swap3A_382 = arith.index_cast %scan3A_311 : i32 to index
      %swap3A_383 = arith.constant 32 : index
      %swap3A_384 = tpu.vector_load %arg18[%swap3A_382, %swap3A_383] {strides = array<i32>} : memref<128x128xf32, #tpu.memory_space<vmem>>, vector<1x16xf32>,
      %swap3A_385 = vector.shape_cast %swap3A_384 : vector<1x16xf32> to vector<16xf32>
      %swap3A_386 = vector.shape_cast %broadcast_in_dim3A_381 : vector<16xf32> to vector<1x16xf32>
      tpu.vector_store %arg18[%swap3A_382, %swap3A_383], %swap3A_386 {strides = array<i32>} : memref<128x128xf32, #tpu.memory_space<vmem>>, vector<1x16xf32>,
      %broadcast_in_dim3A_387 = arith.constant 0.000000e+00 : f32
      %broadcast_in_dim3A_388 = vector.broadcast %broadcast_in_dim3A_387 : f32 to vector<16xf32>
      %swap3A_389 = arith.index_cast %scan3A_311 : i32 to index
      %swap3A_390 = arith.constant 48 : index
      %swap3A_391 = tpu.vector_load %arg18[%swap3A_389, %swap3A_390] {strides = array<i32>} : memref<128x128xf32, #tpu.memory_space<vmem>>, vector<1x16xf32>,
      %swap3A_392 = vector.shape_cast %swap3A_391 : vector<1x16xf32> to vector<16xf32>
      %swap3A_393 = vector.shape_cast %broadcast_in_dim3A_388 : vector<16xf32> to vector<1x16xf32>
      tpu.vector_store %arg18[%swap3A_389, %swap3A_390], %swap3A_393 {strides = array<i32>} : memref<128x128xf32, #tpu.memory_space<vmem>>, vector<1x16xf32>,
      %broadcast_in_dim3A_394 = arith.constant 0.000000e+00 : f32
      %broadcast_in_dim3A_395 = vector.broadcast %broadcast_in_dim3A_394 : f32 to vector<16xf32>
      %swap3A_396 = arith.index_cast %scan3A_311 : i32 to index
      %swap3A_397 = arith.constant 64 : index
      %swap3A_398 = tpu.vector_load %arg18[%swap3A_396, %swap3A_397] {strides = array<i32>} : memref<128x128xf32, #tpu.memory_space<vmem>>, vector<1x16xf32>,
      %swap3A_399 = vector.shape_cast %swap3A_398 : vector<1x16xf32> to vector<16xf32>
      %swap3A_400 = vector.shape_cast %broadcast_in_dim3A_395 : vector<16xf32> to vector<1x16xf32>
      tpu.vector_store %arg18[%swap3A_396, %swap3A_397], %swap3A_400 {strides = array<i32>} : memref<128x128xf32, #tpu.memory_space<vmem>>, vector<1x16xf32>,
      %broadcast_in_dim3A_401 = arith.constant 0.000000e+00 : f32
      %broadcast_in_dim3A_402 = vector.broadcast %broadcast_in_dim3A_401 : f32 to vector<16xf32>
      %swap3A_403 = arith.index_cast %scan3A_311 : i32 to index
      %swap3A_404 = arith.constant 80 : index
      %swap3A_405 = tpu.vector_load %arg18[%swap3A_403, %swap3A_404] {strides = array<i32>} : memref<128x128xf32, #tpu.memory_space<vmem>>, vector<1x16xf32>,
      %swap3A_406 = vector.shape_cast %swap3A_405 : vector<1x16xf32> to vector<16xf32>
      %swap3A_407 = vector.shape_cast %broadcast_in_dim3A_402 : vector<16xf32> to vector<1x16xf32>
      tpu.vector_store %arg18[%swap3A_403, %swap3A_404], %swap3A_407 {strides = array<i32>} : memref<128x128xf32, #tpu.memory_space<vmem>>, vector<1x16xf32>,
      %broadcast_in_dim3A_408 = arith.constant 0.000000e+00 : f32
      %broadcast_in_dim3A_409 = vector.broadcast %broadcast_in_dim3A_408 : f32 to vector<16xf32>
      %swap3A_410 = arith.index_cast %scan3A_311 : i32 to index
      %swap3A_411 = arith.constant 96 : index
      %swap3A_412 = tpu.vector_load %arg18[%swap3A_410, %swap3A_411] {strides = array<i32>} : memref<128x128xf32, #tpu.memory_space<vmem>>, vector<1x16xf32>,
      %swap3A_413 = vector.shape_cast %swap3A_412 : vector<1x16xf32> to vector<16xf32>
      %swap3A_414 = vector.shape_cast %broadcast_in_dim3A_409 : vector<16xf32> to vector<1x16xf32>
      tpu.vector_store %arg18[%swap3A_410, %swap3A_411], %swap3A_414 {strides = array<i32>} : memref<128x128xf32, #tpu.memory_space<vmem>>, vector<1x16xf32>,
      %broadcast_in_dim3A_415 = arith.constant 0.000000e+00 : f32
      %broadcast_in_dim3A_416 = vector.broadcast %broadcast_in_dim3A_415 : f32 to vector<16xf32>
      %swap3A_417 = arith.index_cast %scan3A_311 : i32 to index
      %swap3A_418 = arith.constant 112 : index
      %swap3A_419 = tpu.vector_load %arg18[%swap3A_417, %swap3A_418] {strides = array<i32>} : memref<128x128xf32, #tpu.memory_space<vmem>>, vector<1x16xf32>,
      %swap3A_420 = vector.shape_cast %swap3A_419 : vector<1x16xf32> to vector<16xf32>
      %swap3A_421 = vector.shape_cast %broadcast_in_dim3A_416 : vector<16xf32> to vector<1x16xf32>
      tpu.vector_store %arg18[%swap3A_417, %swap3A_418], %swap3A_421 {strides = array<i32>} : memref<128x128xf32, #tpu.memory_space<vmem>>, vector<1x16xf32>,
      %broadcast_in_dim3A_422 = arith.constant 0.000000e+00 : f32
      %broadcast_in_dim3A_423 = vector.broadcast %broadcast_in_dim3A_422 : f32 to vector<16xf32>
      %swap3A_424 = arith.index_cast %scan3A_311 : i32 to index
      %swap3A_425 = arith.constant 0 : index
      %swap3A_426 = tpu.vector_load %arg19[%swap3A_424, %swap3A_425] {strides = array<i32>} : memref<128x128xf32, #tpu.memory_space<vmem>>, vector<1x16xf32>,
      %swap3A_427 = vector.shape_cast %swap3A_426 : vector<1x16xf32> to vector<16xf32>
      %swap3A_428 = vector.shape_cast %broadcast_in_dim3A_423 : vector<16xf32> to vector<1x16xf32>
      tpu.vector_store %arg19[%swap3A_424, %swap3A_425], %swap3A_428 {strides = array<i32>} : memref<128x128xf32, #tpu.memory_space<vmem>>, vector<1x16xf32>,
      %broadcast_in_dim3A_429 = arith.constant 0.000000e+00 : f32
      %broadcast_in_dim3A_430 = vector.broadcast %broadcast_in_dim3A_429 : f32 to vector<16xf32>
      %swap3A_431 = arith.index_cast %scan3A_311 : i32 to index
      %swap3A_432 = arith.constant 16 : index
      %swap3A_433 = tpu.vector_load %arg19[%swap3A_431, %swap3A_432] {strides = array<i32>} : memref<128x128xf32, #tpu.memory_space<vmem>>, vector<1x16xf32>,
      %swap3A_434 = vector.shape_cast %swap3A_433 : vector<1x16xf32> to vector<16xf32>
      %swap3A_435 = vector.shape_cast %broadcast_in_dim3A_430 : vector<16xf32> to vector<1x16xf32>
      tpu.vector_store %arg19[%swap3A_431, %swap3A_432], %swap3A_435 {strides = array<i32>} : memref<128x128xf32, #tpu.memory_space<vmem>>, vector<1x16xf32>,
      %broadcast_in_dim3A_436 = arith.constant 0.000000e+00 : f32
      %broadcast_in_dim3A_437 = vector.broadcast %broadcast_in_dim3A_436 : f32 to vector<16xf32>
      %swap3A_438 = arith.index_cast %scan3A_311 : i32 to index
      %swap3A_439 = arith.constant 32 : index
      %swap3A_440 = tpu.vector_load %arg19[%swap3A_438, %swap3A_439] {strides = array<i32>} : memref<128x128xf32, #tpu.memory_space<vmem>>, vector<1x16xf32>,
      %swap3A_441 = vector.shape_cast %swap3A_440 : vector<1x16xf32> to vector<16xf32>
      %swap3A_442 = vector.shape_cast %broadcast_in_dim3A_437 : vector<16xf32> to vector<1x16xf32>
      tpu.vector_store %arg19[%swap3A_438, %swap3A_439], %swap3A_442 {strides = array<i32>} : memref<128x128xf32, #tpu.memory_space<vmem>>, vector<1x16xf32>,
      %broadcast_in_dim3A_443 = arith.constant 0.000000e+00 : f32
      %broadcast_in_dim3A_444 = vector.broadcast %broadcast_in_dim3A_443 : f32 to vector<16xf32>
      %swap3A_445 = arith.index_cast %scan3A_311 : i32 to index
      %swap3A_446 = arith.constant 48 : index
      %swap3A_447 = tpu.vector_load %arg19[%swap3A_445, %swap3A_446] {strides = array<i32>} : memref<128x128xf32, #tpu.memory_space<vmem>>, vector<1x16xf32>,
      %swap3A_448 = vector.shape_cast %swap3A_447 : vector<1x16xf32> to vector<16xf32>
      %swap3A_449 = vector.shape_cast %broadcast_in_dim3A_444 : vector<16xf32> to vector<1x16xf32>
      tpu.vector_store %arg19[%swap3A_445, %swap3A_446], %swap3A_449 {strides = array<i32>} : memref<128x128xf32, #tpu.memory_space<vmem>>, vector<1x16xf32>,
      %broadcast_in_dim3A_450 = arith.constant 0.000000e+00 : f32
      %broadcast_in_dim3A_451 = vector.broadcast %broadcast_in_dim3A_450 : f32 to vector<16xf32>
      %swap3A_452 = arith.index_cast %scan3A_311 : i32 to index
      %swap3A_453 = arith.constant 64 : index
      %swap3A_454 = tpu.vector_load %arg19[%swap3A_452, %swap3A_453] {strides = array<i32>} : memref<128x128xf32, #tpu.memory_space<vmem>>, vector<1x16xf32>,
      %swap3A_455 = vector.shape_cast %swap3A_454 : vector<1x16xf32> to vector<16xf32>
      %swap3A_456 = vector.shape_cast %broadcast_in_dim3A_451 : vector<16xf32> to vector<1x16xf32>
      tpu.vector_store %arg19[%swap3A_452, %swap3A_453], %swap3A_456 {strides = array<i32>} : memref<128x128xf32, #tpu.memory_space<vmem>>, vector<1x16xf32>,
      %broadcast_in_dim3A_457 = arith.constant 0.000000e+00 : f32
      %broadcast_in_dim3A_458 = vector.broadcast %broadcast_in_dim3A_457 : f32 to vector<16xf32>
      %swap3A_459 = arith.index_cast %scan3A_311 : i32 to index
      %swap3A_460 = arith.constant 80 : index
      %swap3A_461 = tpu.vector_load %arg19[%swap3A_459, %swap3A_460] {strides = array<i32>} : memref<128x128xf32, #tpu.memory_space<vmem>>, vector<1x16xf32>,
      %swap3A_462 = vector.shape_cast %swap3A_461 : vector<1x16xf32> to vector<16xf32>
      %swap3A_463 = vector.shape_cast %broadcast_in_dim3A_458 : vector<16xf32> to vector<1x16xf32>
      tpu.vector_store %arg19[%swap3A_459, %swap3A_460], %swap3A_463 {strides = array<i32>} : memref<128x128xf32, #tpu.memory_space<vmem>>, vector<1x16xf32>,
      %broadcast_in_dim3A_464 = arith.constant 0.000000e+00 : f32
      %broadcast_in_dim3A_465 = vector.broadcast %broadcast_in_dim3A_464 : f32 to vector<16xf32>
      %swap3A_466 = arith.index_cast %scan3A_311 : i32 to index
      %swap3A_467 = arith.constant 96 : index
      %swap3A_468 = tpu.vector_load %arg19[%swap3A_466, %swap3A_467] {strides = array<i32>} : memref<128x128xf32, #tpu.memory_space<vmem>>, vector<1x16xf32>,
      %swap3A_469 = vector.shape_cast %swap3A_468 : vector<1x16xf32> to vector<16xf32>
      %swap3A_470 = vector.shape_cast %broadcast_in_dim3A_465 : vector<16xf32> to vector<1x16xf32>
      tpu.vector_store %arg19[%swap3A_466, %swap3A_467], %swap3A_470 {strides = array<i32>} : memref<128x128xf32, #tpu.memory_space<vmem>>, vector<1x16xf32>,
      %broadcast_in_dim3A_471 = arith.constant 0.000000e+00 : f32
      %broadcast_in_dim3A_472 = vector.broadcast %broadcast_in_dim3A_471 : f32 to vector<16xf32>
      %swap3A_473 = arith.index_cast %scan3A_311 : i32 to index
      %swap3A_474 = arith.constant 112 : index
      %swap3A_475 = tpu.vector_load %arg19[%swap3A_473, %swap3A_474] {strides = array<i32>} : memref<128x128xf32, #tpu.memory_space<vmem>>, vector<1x16xf32>,
      %swap3A_476 = vector.shape_cast %swap3A_475 : vector<1x16xf32> to vector<16xf32>
      %swap3A_477 = vector.shape_cast %broadcast_in_dim3A_472 : vector<16xf32> to vector<1x16xf32>
      tpu.vector_store %arg19[%swap3A_473, %swap3A_474], %swap3A_477 {strides = array<i32>} : memref<128x128xf32, #tpu.memory_space<vmem>>, vector<1x16xf32>,
    }
    %scan3A_32 = arith.constant 128 : i32
    %mul3A_33 = arith.constant 624 : i32
    %mul3A_34 = arith.muli %arg1, %mul3A_33 : i32
    %add3A_35 = arith.constant 0 : i32
    %add3A_36 = arith.addi %mul3A_34, %add3A_35 : i32
    "tpu.region"() ({
      %run_scoped3A = tpu.sem_alloc : memref<!tpu.dma_semaphore, #tpu.memory_space<semaphore_mem>>
      %dma_start3A_311 = arith.constant 0 : i32
      %dma_start3A_312 = tpu.memref_slice %arg26[%add3A_36, %dma_start3A_311] : memref<10000x128xf32, #tpu.memory_space<vmem_shared>> -> memref<128x128xf32, #tpu.memory_space<vmem_shared>>
      %dma_start3A_313 = arith.constant 0 : i32
      %dma_start3A_314 = tpu.memref_slice %arg26[%add3A_36, %dma_start3A_313] : memref<10000x128xf32, #tpu.memory_space<vmem_shared>> -> memref<128x128xf32, #tpu.memory_space<vmem_shared>>
      tpu.enqueue_dma source(%arg17 : memref<128x128xf32, #tpu.memory_space<vmem>>) target(%dma_start3A_314 : memref<128x128xf32, #tpu.memory_space<vmem_shared>>) target_semaphore(%run_scoped3A : memref<!tpu.dma_semaphore, #tpu.memory_space<semaphore_mem>>)
      %dma_wait3A_315 = arith.constant 0 : i32
      %dma_wait3A_316 = tpu.memref_slice %arg26[%add3A_36, %dma_wait3A_315] : memref<10000x128xf32, #tpu.memory_space<vmem_shared>> -> memref<128x128xf32, #tpu.memory_space<vmem_shared>>
      %dma_wait3A_317 = arith.constant 0 : i32
      %dma_wait3A_318 = tpu.memref_slice %arg26[%add3A_36, %dma_wait3A_317] : memref<10000x128xf32, #tpu.memory_space<vmem_shared>> -> memref<128x128xf32, #tpu.memory_space<vmem_shared>>
      tpu.wait_dma2 semaphore(%run_scoped3A : memref<!tpu.dma_semaphore, #tpu.memory_space<semaphore_mem>>) src(%arg17 : memref<128x128xf32, #tpu.memory_space<vmem>>) dst(%dma_wait3A_318 : memref<128x128xf32, #tpu.memory_space<vmem_shared>>)
      tpu.yield
    }) : () -> ()
    %add3A_37 = arith.constant 128 : i32
    %add3A_38 = arith.addi %mul3A_34, %add3A_37 : i32
    "tpu.region"() ({
      %run_scoped3A = tpu.sem_alloc : memref<!tpu.dma_semaphore, #tpu.memory_space<semaphore_mem>>
      %dma_start3A_311 = arith.constant 0 : i32
      %dma_start3A_312 = tpu.memref_slice %arg26[%add3A_38, %dma_start3A_311] : memref<10000x128xf32, #tpu.memory_space<vmem_shared>> -> memref<128x128xf32, #tpu.memory_space<vmem_shared>>
      %dma_start3A_313 = arith.constant 0 : i32
      %dma_start3A_314 = tpu.memref_slice %arg26[%add3A_38, %dma_start3A_313] : memref<10000x128xf32, #tpu.memory_space<vmem_shared>> -> memref<128x128xf32, #tpu.memory_space<vmem_shared>>
      tpu.enqueue_dma source(%arg18 : memref<128x128xf32, #tpu.memory_space<vmem>>) target(%dma_start3A_314 : memref<128x128xf32, #tpu.memory_space<vmem_shared>>) target_semaphore(%run_scoped3A : memref<!tpu.dma_semaphore, #tpu.memory_space<semaphore_mem>>)
      %dma_wait3A_315 = arith.constant 0 : i32
      %dma_wait3A_316 = tpu.memref_slice %arg26[%add3A_38, %dma_wait3A_315] : memref<10000x128xf32, #tpu.memory_space<vmem_shared>> -> memref<128x128xf32, #tpu.memory_space<vmem_shared>>
      %dma_wait3A_317 = arith.constant 0 : i32
      %dma_wait3A_318 = tpu.memref_slice %arg26[%add3A_38, %dma_wait3A_317] : memref<10000x128xf32, #tpu.memory_space<vmem_shared>> -> memref<128x128xf32, #tpu.memory_space<vmem_shared>>
      tpu.wait_dma2 semaphore(%run_scoped3A : memref<!tpu.dma_semaphore, #tpu.memory_space<semaphore_mem>>) src(%arg18 : memref<128x128xf32, #tpu.memory_space<vmem>>) dst(%dma_wait3A_318 : memref<128x128xf32, #tpu.memory_space<vmem_shared>>)
      tpu.yield
    }) : () -> ()
    %add3A_39 = arith.constant 256 : i32
    %add3A_40 = arith.addi %mul3A_34, %add3A_39 : i32
    "tpu.region"() ({
      %run_scoped3A = tpu.sem_alloc : memref<!tpu.dma_semaphore, #tpu.memory_space<semaphore_mem>>
      %dma_start3A_311 = arith.constant 0 : i32
      %dma_start3A_312 = tpu.memref_slice %arg26[%add3A_40, %dma_start3A_311] : memref<10000x128xf32, #tpu.memory_space<vmem_shared>> -> memref<128x128xf32, #tpu.memory_space<vmem_shared>>
      %dma_start3A_313 = arith.constant 0 : i32
      %dma_start3A_314 = tpu.memref_slice %arg26[%add3A_40, %dma_start3A_313] : memref<10000x128xf32, #tpu.memory_space<vmem_shared>> -> memref<128x128xf32, #tpu.memory_space<vmem_shared>>
      tpu.enqueue_dma source(%arg19 : memref<128x128xf32, #tpu.memory_space<vmem>>) target(%dma_start3A_314 : memref<128x128xf32, #tpu.memory_space<vmem_shared>>) target_semaphore(%run_scoped3A : memref<!tpu.dma_semaphore, #tpu.memory_space<semaphore_mem>>)
      %dma_wait3A_315 = arith.constant 0 : i32
      %dma_wait3A_316 = tpu.memref_slice %arg26[%add3A_40, %dma_wait3A_315] : memref<10000x128xf32, #tpu.memory_space<vmem_shared>> -> memref<128x128xf32, #tpu.memory_space<vmem_shared>>
      %dma_wait3A_317 = arith.constant 0 : i32
      %dma_wait3A_318 = tpu.memref_slice %arg26[%add3A_40, %dma_wait3A_317] : memref<10000x128xf32, #tpu.memory_space<vmem_shared>> -> memref<128x128xf32, #tpu.memory_space<vmem_shared>>
      tpu.wait_dma2 semaphore(%run_scoped3A : memref<!tpu.dma_semaphore, #tpu.memory_space<semaphore_mem>>) src(%arg19 : memref<128x128xf32, #tpu.memory_space<vmem>>) dst(%dma_wait3A_318 : memref<128x128xf32, #tpu.memory_space<vmem_shared>>)
      tpu.yield
    }) : () -> ()
    %add3A_41 = arith.constant 384 : i32
    %add3A_42 = arith.addi %mul3A_34, %add3A_41 : i32
    "tpu.region"() ({
      %run_scoped3A = tpu.sem_alloc : memref<!tpu.dma_semaphore, #tpu.memory_space<semaphore_mem>>
      %dma_start3A_311 = arith.constant 0 : i32
      %dma_start3A_312 = tpu.memref_slice %arg26[%add3A_42, %dma_start3A_311] : memref<10000x128xf32, #tpu.memory_space<vmem_shared>> -> memref<128x128xf32, #tpu.memory_space<vmem_shared>>
      %dma_start3A_313 = arith.constant 0 : i32
      %dma_start3A_314 = tpu.memref_slice %arg26[%add3A_42, %dma_start3A_313] : memref<10000x128xf32, #tpu.memory_space<vmem_shared>> -> memref<128x128xf32, #tpu.memory_space<vmem_shared>>
      tpu.enqueue_dma source(%arg17 : memref<128x128xf32, #tpu.memory_space<vmem>>) target(%dma_start3A_314 : memref<128x128xf32, #tpu.memory_space<vmem_shared>>) target_semaphore(%run_scoped3A : memref<!tpu.dma_semaphore, #tpu.memory_space<semaphore_mem>>)
      %dma_wait3A_315 = arith.constant 0 : i32
      %dma_wait3A_316 = tpu.memref_slice %arg26[%add3A_42, %dma_wait3A_315] : memref<10000x128xf32, #tpu.memory_space<vmem_shared>> -> memref<128x128xf32, #tpu.memory_space<vmem_shared>>
      %dma_wait3A_317 = arith.constant 0 : i32
      %dma_wait3A_318 = tpu.memref_slice %arg26[%add3A_42, %dma_wait3A_317] : memref<10000x128xf32, #tpu.memory_space<vmem_shared>> -> memref<128x128xf32, #tpu.memory_space<vmem_shared>>
      tpu.wait_dma2 semaphore(%run_scoped3A : memref<!tpu.dma_semaphore, #tpu.memory_space<semaphore_mem>>) src(%arg17 : memref<128x128xf32, #tpu.memory_space<vmem>>) dst(%dma_wait3A_318 : memref<128x128xf32, #tpu.memory_space<vmem_shared>>)
      tpu.yield
    }) : () -> ()
    %add3A_43 = arith.constant 512 : i32
    %add3A_44 = arith.addi %mul3A_34, %add3A_43 : i32
    "tpu.region"() ({
      %run_scoped3A = tpu.sem_alloc : memref<!tpu.dma_semaphore, #tpu.memory_space<semaphore_mem>>
      %dma_start3A_311 = arith.constant 0 : i32
      %dma_start3A_312 = arith.constant 0 : i32
      %dma_start3A_313 = tpu.memref_slice %arg17[%dma_start3A_311, %dma_start3A_312] : memref<128x128xf32, #tpu.memory_space<vmem>> -> memref<112x128xf32, #tpu.memory_space<vmem>>
      %dma_start3A_314 = arith.constant 0 : i32
      %dma_start3A_315 = tpu.memref_slice %arg26[%add3A_44, %dma_start3A_314] : memref<10000x128xf32, #tpu.memory_space<vmem_shared>> -> memref<112x128xf32, #tpu.memory_space<vmem_shared>>
      %dma_start3A_316 = arith.constant 0 : i32
      %dma_start3A_317 = tpu.memref_slice %arg26[%add3A_44, %dma_start3A_316] : memref<10000x128xf32, #tpu.memory_space<vmem_shared>> -> memref<112x128xf32, #tpu.memory_space<vmem_shared>>
      %dma_start3A_318 = arith.constant 0 : i32
      %dma_start3A_319 = arith.constant 0 : i32
      %dma_start3A_320 = tpu.memref_slice %arg17[%dma_start3A_318, %dma_start3A_319] : memref<128x128xf32, #tpu.memory_space<vmem>> -> memref<112x128xf32, #tpu.memory_space<vmem>>
      tpu.enqueue_dma source(%dma_start3A_320 : memref<112x128xf32, #tpu.memory_space<vmem>>) target(%dma_start3A_317 : memref<112x128xf32, #tpu.memory_space<vmem_shared>>) target_semaphore(%run_scoped3A : memref<!tpu.dma_semaphore, #tpu.memory_space<semaphore_mem>>)
      %dma_wait3A_321 = arith.constant 0 : i32
      %dma_wait3A_322 = arith.constant 0 : i32
      %dma_wait3A_323 = tpu.memref_slice %arg17[%dma_wait3A_321, %dma_wait3A_322] : memref<128x128xf32, #tpu.memory_space<vmem>> -> memref<112x128xf32, #tpu.memory_space<vmem>>
      %dma_wait3A_324 = arith.constant 0 : i32
      %dma_wait3A_325 = tpu.memref_slice %arg26[%add3A_44, %dma_wait3A_324] : memref<10000x128xf32, #tpu.memory_space<vmem_shared>> -> memref<112x128xf32, #tpu.memory_space<vmem_shared>>
      %dma_wait3A_326 = arith.constant 0 : i32
      %dma_wait3A_327 = tpu.memref_slice %arg26[%add3A_44, %dma_wait3A_326] : memref<10000x128xf32, #tpu.memory_space<vmem_shared>> -> memref<112x128xf32, #tpu.memory_space<vmem_shared>>
      %dma_wait3A_328 = arith.constant 0 : i32
      %dma_wait3A_329 = arith.constant 0 : i32
      %dma_wait3A_330 = tpu.memref_slice %arg17[%dma_wait3A_328, %dma_wait3A_329] : memref<128x128xf32, #tpu.memory_space<vmem>> -> memref<112x128xf32, #tpu.memory_space<vmem>>
      tpu.wait_dma2 semaphore(%run_scoped3A : memref<!tpu.dma_semaphore, #tpu.memory_space<semaphore_mem>>) src(%dma_wait3A_330 : memref<112x128xf32, #tpu.memory_space<vmem>>) dst(%dma_wait3A_327 : memref<112x128xf32, #tpu.memory_space<vmem_shared>>)
      tpu.yield
    }) : () -> ()
    %eq3A = arith.constant 15 : i32
    %eq3A_45 = arith.cmpi eq, %arg1, %eq3A : i32
    %convert_element_type3A = arith.extui %eq3A_45 : i1 to i32
    %cond3A = arith.constant 0 : i32
    %cond3A_46 = arith.cmpi ne, %convert_element_type3A, %cond3A : i32
    scf.if %cond3A_46 {
      "tpu.region"() ({
        %run_scoped3A = tpu.sem_alloc : memref<!tpu.dma_semaphore, #tpu.memory_space<semaphore_mem>>
        %dma_start3A_311 = arith.constant 0 : i32
        %dma_start3A_312 = arith.constant 0 : i32
        %dma_start3A_313 = tpu.memref_slice %arg17[%dma_start3A_311, %dma_start3A_312] : memref<128x128xf32, #tpu.memory_space<vmem>> -> memref<16x128xf32, #tpu.memory_space<vmem>>
        %dma_start3A_314 = arith.constant 9984 : i32
        %dma_start3A_315 = arith.constant 0 : i32
        %dma_start3A_316 = tpu.memref_slice %arg26[%dma_start3A_314, %dma_start3A_315] : memref<10000x128xf32, #tpu.memory_space<vmem_shared>> -> memref<16x128xf32, #tpu.memory_space<vmem_shared>>
        %dma_start3A_317 = arith.constant 9984 : i32
        %dma_start3A_318 = arith.constant 0 : i32
        %dma_start3A_319 = tpu.memref_slice %arg26[%dma_start3A_317, %dma_start3A_318] : memref<10000x128xf32, #tpu.memory_space<vmem_shared>> -> memref<16x128xf32, #tpu.memory_space<vmem_shared>>
        %dma_start3A_320 = arith.constant 0 : i32
        %dma_start3A_321 = arith.constant 0 : i32
        %dma_start3A_322 = tpu.memref_slice %arg17[%dma_start3A_320, %dma_start3A_321] : memref<128x128xf32, #tpu.memory_space<vmem>> -> memref<16x128xf32, #tpu.memory_space<vmem>>
        tpu.enqueue_dma source(%dma_start3A_322 : memref<16x128xf32, #tpu.memory_space<vmem>>) target(%dma_start3A_319 : memref<16x128xf32, #tpu.memory_space<vmem_shared>>) target_semaphore(%run_scoped3A : memref<!tpu.dma_semaphore, #tpu.memory_space<semaphore_mem>>)
        %dma_wait3A_323 = arith.constant 0 : i32
        %dma_wait3A_324 = arith.constant 0 : i32
        %dma_wait3A_325 = tpu.memref_slice %arg17[%dma_wait3A_323, %dma_wait3A_324] : memref<128x128xf32, #tpu.memory_space<vmem>> -> memref<16x128xf32, #tpu.memory_space<vmem>>
        %dma_wait3A_326 = arith.constant 9984 : i32
        %dma_wait3A_327 = arith.constant 0 : i32
        %dma_wait3A_328 = tpu.memref_slice %arg26[%dma_wait3A_326, %dma_wait3A_327] : memref<10000x128xf32, #tpu.memory_space<vmem_shared>> -> memref<16x128xf32, #tpu.memory_space<vmem_shared>>
        %dma_wait3A_329 = arith.constant 9984 : i32
        %dma_wait3A_330 = arith.constant 0 : i32
        %dma_wait3A_331 = tpu.memref_slice %arg26[%dma_wait3A_329, %dma_wait3A_330] : memref<10000x128xf32, #tpu.memory_space<vmem_shared>> -> memref<16x128xf32, #tpu.memory_space<vmem_shared>>
        %dma_wait3A_332 = arith.constant 0 : i32
        %dma_wait3A_333 = arith.constant 0 : i32
        %dma_wait3A_334 = tpu.memref_slice %arg17[%dma_wait3A_332, %dma_wait3A_333] : memref<128x128xf32, #tpu.memory_space<vmem>> -> memref<16x128xf32, #tpu.memory_space<vmem>>
        tpu.wait_dma2 semaphore(%run_scoped3A : memref<!tpu.dma_semaphore, #tpu.memory_space<semaphore_mem>>) src(%dma_wait3A_334 : memref<16x128xf32, #tpu.memory_space<vmem>>) dst(%dma_wait3A_331 : memref<16x128xf32, #tpu.memory_space<vmem_shared>>)
        tpu.yield
      }) : () -> ()
    } else {
    }
    %add3A_47 = arith.constant 0 : i32
    %add3A_48 = arith.addi %mul3A_2, %add3A_47 : i32
    %mul3A_49 = arith.constant 128 : i32
    %mul3A_50 = arith.muli %add3A_48, %mul3A_49 : i32
    %multiple_of3A_51 = tpu.assume_multiple %mul3A_50, 128 : i32
    %dma_wait3A = arith.constant 0 : i32
    %dma_wait3A_52 = tpu.memref_slice %arg3[%dma_wait3A, %multiple_of3A_51] : memref<2x320000xi32, #tpu.memory_space<hbm>> -> memref<2x128xi32, #tpu.memory_space<hbm>>
    %dma_wait3A_53 = arith.constant 0 : i32
    %dma_wait3A_54 = tpu.memref_slice %arg3[%dma_wait3A_53, %multiple_of3A_51] : memref<2x320000xi32, #tpu.memory_space<hbm>> -> memref<2x128xi32, #tpu.memory_space<hbm>>
    tpu.wait_dma2 semaphore(%arg11 : memref<!tpu.dma_semaphore, #tpu.memory_space<semaphore_mem>>) src(%dma_wait3A_54 : memref<2x128xi32, #tpu.memory_space<hbm>>) dst(%arg5 : memref<2x128xi32, #tpu.memory_space<vmem>>)
    %dma_start3A_55 = arith.constant 0 : i32
    %dma_start3A_56 = arith.constant 0 : i32
    %dma_start3A_57 = tpu.memref_slice %arg5[%dma_start3A_55, %dma_start3A_56] : memref<2x128xi32, #tpu.memory_space<vmem>> -> memref<1x128xi32, #tpu.memory_space<vmem>>
    %dma_start3A_58 = tpu.memref_squeeze %dma_start3A_57 : memref<1x128xi32, #tpu.memory_space<vmem>> -> memref<128xi32, #tpu.memory_space<vmem>>
    %dma_start3A_59 = arith.constant 0 : i32
    %dma_start3A_60 = arith.constant 0 : i32
    %dma_start3A_61 = tpu.memref_slice %arg2[%dma_start3A_59, %dma_start3A_60] : memref<10000x128xf32, #tpu.memory_space<hbm>> -> memref<10000x128xf32, #tpu.memory_space<hbm>>
    tpu.enqueue_indirect_dma source(%dma_start3A_61 : memref<10000x128xf32, #tpu.memory_space<hbm>>) target(%arg17 : memref<128x128xf32, #tpu.memory_space<vmem>>) offsets(%dma_start3A_58 : memref<128xi32, #tpu.memory_space<vmem>>) semaphore(%arg20 : memref<!tpu.dma_semaphore, #tpu.memory_space<semaphore_mem>>)
    %add3A_62 = arith.constant 1 : i32
    %add3A_63 = arith.addi %mul3A_2, %add3A_62 : i32
    %mul3A_64 = arith.constant 128 : i32
    %mul3A_65 = arith.muli %add3A_63, %mul3A_64 : i32
    %multiple_of3A_66 = tpu.assume_multiple %mul3A_65, 128 : i32
    %dma_wait3A_67 = arith.constant 0 : i32
    %dma_wait3A_68 = tpu.memref_slice %arg3[%dma_wait3A_67, %multiple_of3A_66] : memref<2x320000xi32, #tpu.memory_space<hbm>> -> memref<2x128xi32, #tpu.memory_space<hbm>>
    %dma_wait3A_69 = arith.constant 0 : i32
    %dma_wait3A_70 = tpu.memref_slice %arg3[%dma_wait3A_69, %multiple_of3A_66] : memref<2x320000xi32, #tpu.memory_space<hbm>> -> memref<2x128xi32, #tpu.memory_space<hbm>>
    tpu.wait_dma2 semaphore(%arg12 : memref<!tpu.dma_semaphore, #tpu.memory_space<semaphore_mem>>) src(%dma_wait3A_70 : memref<2x128xi32, #tpu.memory_space<hbm>>) dst(%arg6 : memref<2x128xi32, #tpu.memory_space<vmem>>)
    %dma_start3A_71 = arith.constant 0 : i32
    %dma_start3A_72 = arith.constant 0 : i32
    %dma_start3A_73 = tpu.memref_slice %arg6[%dma_start3A_71, %dma_start3A_72] : memref<2x128xi32, #tpu.memory_space<vmem>> -> memref<1x128xi32, #tpu.memory_space<vmem>>
    %dma_start3A_74 = tpu.memref_squeeze %dma_start3A_73 : memref<1x128xi32, #tpu.memory_space<vmem>> -> memref<128xi32, #tpu.memory_space<vmem>>
    %dma_start3A_75 = arith.constant 0 : i32
    %dma_start3A_76 = arith.constant 0 : i32
    %dma_start3A_77 = tpu.memref_slice %arg2[%dma_start3A_75, %dma_start3A_76] : memref<10000x128xf32, #tpu.memory_space<hbm>> -> memref<10000x128xf32, #tpu.memory_space<hbm>>
    tpu.enqueue_indirect_dma source(%dma_start3A_77 : memref<10000x128xf32, #tpu.memory_space<hbm>>) target(%arg18 : memref<128x128xf32, #tpu.memory_space<vmem>>) offsets(%dma_start3A_74 : memref<128xi32, #tpu.memory_space<vmem>>) semaphore(%arg21 : memref<!tpu.dma_semaphore, #tpu.memory_space<semaphore_mem>>)
    %add3A_78 = arith.constant 2 : i32
    %add3A_79 = arith.addi %mul3A_2, %add3A_78 : i32
    %mul3A_80 = arith.constant 128 : i32
    %mul3A_81 = arith.muli %add3A_79, %mul3A_80 : i32
    %multiple_of3A_82 = tpu.assume_multiple %mul3A_81, 128 : i32
    %dma_wait3A_83 = arith.constant 0 : i32
    %dma_wait3A_84 = tpu.memref_slice %arg3[%dma_wait3A_83, %multiple_of3A_82] : memref<2x320000xi32, #tpu.memory_space<hbm>> -> memref<2x128xi32, #tpu.memory_space<hbm>>
    %dma_wait3A_85 = arith.constant 0 : i32
    %dma_wait3A_86 = tpu.memref_slice %arg3[%dma_wait3A_85, %multiple_of3A_82] : memref<2x320000xi32, #tpu.memory_space<hbm>> -> memref<2x128xi32, #tpu.memory_space<hbm>>
    tpu.wait_dma2 semaphore(%arg13 : memref<!tpu.dma_semaphore, #tpu.memory_space<semaphore_mem>>) src(%dma_wait3A_86 : memref<2x128xi32, #tpu.memory_space<hbm>>) dst(%arg7 : memref<2x128xi32, #tpu.memory_space<vmem>>)
    %dma_start3A_87 = arith.constant 0 : i32
    %dma_start3A_88 = arith.constant 0 : i32
    %dma_start3A_89 = tpu.memref_slice %arg7[%dma_start3A_87, %dma_start3A_88] : memref<2x128xi32, #tpu.memory_space<vmem>> -> memref<1x128xi32, #tpu.memory_space<vmem>>
    %dma_start3A_90 = tpu.memref_squeeze %dma_start3A_89 : memref<1x128xi32, #tpu.memory_space<vmem>> -> memref<128xi32, #tpu.memory_space<vmem>>
    %dma_start3A_91 = arith.constant 0 : i32
    %dma_start3A_92 = arith.constant 0 : i32
    %dma_start3A_93 = tpu.memref_slice %arg2[%dma_start3A_91, %dma_start3A_92] : memref<10000x128xf32, #tpu.memory_space<hbm>> -> memref<10000x128xf32, #tpu.memory_space<hbm>>
    tpu.enqueue_indirect_dma source(%dma_start3A_93 : memref<10000x128xf32, #tpu.memory_space<hbm>>) target(%arg19 : memref<128x128xf32, #tpu.memory_space<vmem>>) offsets(%dma_start3A_90 : memref<128xi32, #tpu.memory_space<vmem>>) semaphore(%arg22 : memref<!tpu.dma_semaphore, #tpu.memory_space<semaphore_mem>>)
    %barrier3A = arith.constant 0 : index
    tpu.barrier barrier_id(%barrier3A)
    %scan3A_94 = arith.constant 0 : i32
    %scan3A_95 = arith.constant 0 : i32
    %scan3A_96 = arith.constant 12 : i32
    %scan3A_97 = arith.addi %scan3A_95, %scan3A_96 : i32
    %scan3A_98 = arith.constant 1 : i32
    scf.for %scan3A_311 = %scan3A_95 to %scan3A_97 step %scan3A_98  : i32 {
      %mul3A_312 = arith.constant 2 : i32
      %mul3A_313 = arith.muli %mul3A_312, %scan3A_311 : i32
      %mul3A_314 = arith.constant 3 : i32
      %mul3A_315 = arith.muli %mul3A_313, %mul3A_314 : i32
      %add3A_316 = arith.constant 0 : i32
      %add3A_317 = arith.addi %mul3A_315, %add3A_316 : i32
      %dma_wait3A_318 = arith.constant 0 : i32
      %dma_wait3A_319 = arith.constant 0 : i32
      %dma_wait3A_320 = tpu.memref_slice %arg5[%dma_wait3A_318, %dma_wait3A_319] : memref<2x128xi32, #tpu.memory_space<vmem>> -> memref<1x128xi32, #tpu.memory_space<vmem>>
      %dma_wait3A_321 = tpu.memref_squeeze %dma_wait3A_320 : memref<1x128xi32, #tpu.memory_space<vmem>> -> memref<128xi32, #tpu.memory_space<vmem>>
      %dma_wait3A_322 = arith.constant 0 : i32
      %dma_wait3A_323 = arith.constant 0 : i32
      %dma_wait3A_324 = tpu.memref_slice %arg2[%dma_wait3A_322, %dma_wait3A_323] : memref<10000x128xf32, #tpu.memory_space<hbm>> -> memref<10000x128xf32, #tpu.memory_space<hbm>>
      tpu.wait_indirect_dma semaphore(%arg20 : memref<!tpu.dma_semaphore, #tpu.memory_space<semaphore_mem>>) src(%dma_wait3A_324 : memref<10000x128xf32, #tpu.memory_space<hbm>>) dst(%arg17 : memref<128x128xf32, #tpu.memory_space<vmem>>)
      %add3A_325 = arith.constant 0 : i32
      %add3A_326 = arith.addi %mul3A_315, %add3A_325 : i32
      %dma_start3A_327 = arith.constant 1 : i32
      %dma_start3A_328 = arith.constant 0 : i32
      %dma_start3A_329 = tpu.memref_slice %arg5[%dma_start3A_327, %dma_start3A_328] : memref<2x128xi32, #tpu.memory_space<vmem>> -> memref<1x128xi32, #tpu.memory_space<vmem>>
      %dma_start3A_330 = tpu.memref_squeeze %dma_start3A_329 : memref<1x128xi32, #tpu.memory_space<vmem>> -> memref<128xi32, #tpu.memory_space<vmem>>
      %dma_start3A_331 = arith.constant 0 : i32
      %dma_start3A_332 = arith.constant 0 : i32
      %dma_start3A_333 = tpu.memref_slice %arg26[%dma_start3A_331, %dma_start3A_332] : memref<10000x128xf32, #tpu.memory_space<vmem_shared>> -> memref<10000x128xf32, #tpu.memory_space<vmem_shared>>
      tpu.enqueue_indirect_dma source(%arg17 : memref<128x128xf32, #tpu.memory_space<vmem>>) target(%dma_start3A_333 : memref<10000x128xf32, #tpu.memory_space<vmem_shared>>) offsets(%dma_start3A_330 : memref<128xi32, #tpu.memory_space<vmem>>) semaphore(%arg23 : memref<!tpu.dma_semaphore, #tpu.memory_space<semaphore_mem>>) {add = true}
      %add3A_334 = arith.constant 3 : i32
      %add3A_335 = arith.addi %mul3A_315, %add3A_334 : i32
      %add3A_336 = arith.constant 0 : i32
      %add3A_337 = arith.addi %add3A_335, %add3A_336 : i32
      %add3A_338 = arith.addi %mul3A_2, %add3A_337 : i32
      %mul3A_339 = arith.constant 128 : i32
      %mul3A_340 = arith.muli %add3A_338, %mul3A_339 : i32
      %multiple_of3A_341 = tpu.assume_multiple %mul3A_340, 128 : i32
      %dma_start3A_342 = arith.constant 0 : i32
      %dma_start3A_343 = tpu.memref_slice %arg3[%dma_start3A_342, %multiple_of3A_341] : memref<2x320000xi32, #tpu.memory_space<hbm>> -> memref<2x128xi32, #tpu.memory_space<hbm>>
      %dma_start3A_344 = arith.constant 0 : i32
      %dma_start3A_345 = tpu.memref_slice %arg3[%dma_start3A_344, %multiple_of3A_341] : memref<2x320000xi32, #tpu.memory_space<hbm>> -> memref<2x128xi32, #tpu.memory_space<hbm>>
      tpu.enqueue_dma source(%dma_start3A_345 : memref<2x128xi32, #tpu.memory_space<hbm>>) target(%arg8 : memref<2x128xi32, #tpu.memory_space<vmem>>) target_semaphore(%arg14 : memref<!tpu.dma_semaphore, #tpu.memory_space<semaphore_mem>>)
      %add3A_346 = arith.constant 1 : i32
      %add3A_347 = arith.addi %mul3A_315, %add3A_346 : i32
      %dma_wait3A_348 = arith.constant 0 : i32
      %dma_wait3A_349 = arith.constant 0 : i32
      %dma_wait3A_350 = tpu.memref_slice %arg6[%dma_wait3A_348, %dma_wait3A_349] : memref<2x128xi32, #tpu.memory_space<vmem>> -> memref<1x128xi32, #tpu.memory_space<vmem>>
      %dma_wait3A_351 = tpu.memref_squeeze %dma_wait3A_350 : memref<1x128xi32, #tpu.memory_space<vmem>> -> memref<128xi32, #tpu.memory_space<vmem>>
      %dma_wait3A_352 = arith.constant 0 : i32
      %dma_wait3A_353 = arith.constant 0 : i32
      %dma_wait3A_354 = tpu.memref_slice %arg2[%dma_wait3A_352, %dma_wait3A_353] : memref<10000x128xf32, #tpu.memory_space<hbm>> -> memref<10000x128xf32, #tpu.memory_space<hbm>>
      tpu.wait_indirect_dma semaphore(%arg21 : memref<!tpu.dma_semaphore, #tpu.memory_space<semaphore_mem>>) src(%dma_wait3A_354 : memref<10000x128xf32, #tpu.memory_space<hbm>>) dst(%arg18 : memref<128x128xf32, #tpu.memory_space<vmem>>)
      %add3A_355 = arith.constant 1 : i32
      %add3A_356 = arith.addi %mul3A_315, %add3A_355 : i32
      %dma_start3A_357 = arith.constant 1 : i32
      %dma_start3A_358 = arith.constant 0 : i32
      %dma_start3A_359 = tpu.memref_slice %arg6[%dma_start3A_357, %dma_start3A_358] : memref<2x128xi32, #tpu.memory_space<vmem>> -> memref<1x128xi32, #tpu.memory_space<vmem>>
      %dma_start3A_360 = tpu.memref_squeeze %dma_start3A_359 : memref<1x128xi32, #tpu.memory_space<vmem>> -> memref<128xi32, #tpu.memory_space<vmem>>
      %dma_start3A_361 = arith.constant 0 : i32
      %dma_start3A_362 = arith.constant 0 : i32
      %dma_start3A_363 = tpu.memref_slice %arg26[%dma_start3A_361, %dma_start3A_362] : memref<10000x128xf32, #tpu.memory_space<vmem_shared>> -> memref<10000x128xf32, #tpu.memory_space<vmem_shared>>
      tpu.enqueue_indirect_dma source(%arg18 : memref<128x128xf32, #tpu.memory_space<vmem>>) target(%dma_start3A_363 : memref<10000x128xf32, #tpu.memory_space<vmem_shared>>) offsets(%dma_start3A_360 : memref<128xi32, #tpu.memory_space<vmem>>) semaphore(%arg24 : memref<!tpu.dma_semaphore, #tpu.memory_space<semaphore_mem>>) {add = true}
      %add3A_364 = arith.constant 3 : i32
      %add3A_365 = arith.addi %mul3A_315, %add3A_364 : i32
      %add3A_366 = arith.constant 1 : i32
      %add3A_367 = arith.addi %add3A_365, %add3A_366 : i32
      %add3A_368 = arith.addi %mul3A_2, %add3A_367 : i32
      %mul3A_369 = arith.constant 128 : i32
      %mul3A_370 = arith.muli %add3A_368, %mul3A_369 : i32
      %multiple_of3A_371 = tpu.assume_multiple %mul3A_370, 128 : i32
      %dma_start3A_372 = arith.constant 0 : i32
      %dma_start3A_373 = tpu.memref_slice %arg3[%dma_start3A_372, %multiple_of3A_371] : memref<2x320000xi32, #tpu.memory_space<hbm>> -> memref<2x128xi32, #tpu.memory_space<hbm>>
      %dma_start3A_374 = arith.constant 0 : i32
      %dma_start3A_375 = tpu.memref_slice %arg3[%dma_start3A_374, %multiple_of3A_371] : memref<2x320000xi32, #tpu.memory_space<hbm>> -> memref<2x128xi32, #tpu.memory_space<hbm>>
      tpu.enqueue_dma source(%dma_start3A_375 : memref<2x128xi32, #tpu.memory_space<hbm>>) target(%arg9 : memref<2x128xi32, #tpu.memory_space<vmem>>) target_semaphore(%arg15 : memref<!tpu.dma_semaphore, #tpu.memory_space<semaphore_mem>>)
      %add3A_376 = arith.constant 2 : i32
      %add3A_377 = arith.addi %mul3A_315, %add3A_376 : i32
      %dma_wait3A_378 = arith.constant 0 : i32
      %dma_wait3A_379 = arith.constant 0 : i32
      %dma_wait3A_380 = tpu.memref_slice %arg7[%dma_wait3A_378, %dma_wait3A_379] : memref<2x128xi32, #tpu.memory_space<vmem>> -> memref<1x128xi32, #tpu.memory_space<vmem>>
      %dma_wait3A_381 = tpu.memref_squeeze %dma_wait3A_380 : memref<1x128xi32, #tpu.memory_space<vmem>> -> memref<128xi32, #tpu.memory_space<vmem>>
      %dma_wait3A_382 = arith.constant 0 : i32
      %dma_wait3A_383 = arith.constant 0 : i32
      %dma_wait3A_384 = tpu.memref_slice %arg2[%dma_wait3A_382, %dma_wait3A_383] : memref<10000x128xf32, #tpu.memory_space<hbm>> -> memref<10000x128xf32, #tpu.memory_space<hbm>>
      tpu.wait_indirect_dma semaphore(%arg22 : memref<!tpu.dma_semaphore, #tpu.memory_space<semaphore_mem>>) src(%dma_wait3A_384 : memref<10000x128xf32, #tpu.memory_space<hbm>>) dst(%arg19 : memref<128x128xf32, #tpu.memory_space<vmem>>)
      %add3A_385 = arith.constant 2 : i32
      %add3A_386 = arith.addi %mul3A_315, %add3A_385 : i32
      %dma_start3A_387 = arith.constant 1 : i32
      %dma_start3A_388 = arith.constant 0 : i32
      %dma_start3A_389 = tpu.memref_slice %arg7[%dma_start3A_387, %dma_start3A_388] : memref<2x128xi32, #tpu.memory_space<vmem>> -> memref<1x128xi32, #tpu.memory_space<vmem>>
      %dma_start3A_390 = tpu.memref_squeeze %dma_start3A_389 : memref<1x128xi32, #tpu.memory_space<vmem>> -> memref<128xi32, #tpu.memory_space<vmem>>
      %dma_start3A_391 = arith.constant 0 : i32
      %dma_start3A_392 = arith.constant 0 : i32
      %dma_start3A_393 = tpu.memref_slice %arg26[%dma_start3A_391, %dma_start3A_392] : memref<10000x128xf32, #tpu.memory_space<vmem_shared>> -> memref<10000x128xf32, #tpu.memory_space<vmem_shared>>
      tpu.enqueue_indirect_dma source(%arg19 : memref<128x128xf32, #tpu.memory_space<vmem>>) target(%dma_start3A_393 : memref<10000x128xf32, #tpu.memory_space<vmem_shared>>) offsets(%dma_start3A_390 : memref<128xi32, #tpu.memory_space<vmem>>) semaphore(%arg25 : memref<!tpu.dma_semaphore, #tpu.memory_space<semaphore_mem>>) {add = true}
      %add3A_394 = arith.constant 3 : i32
      %add3A_395 = arith.addi %mul3A_315, %add3A_394 : i32
      %add3A_396 = arith.constant 2 : i32
      %add3A_397 = arith.addi %add3A_395, %add3A_396 : i32
      %add3A_398 = arith.addi %mul3A_2, %add3A_397 : i32
      %mul3A_399 = arith.constant 128 : i32
      %mul3A_400 = arith.muli %add3A_398, %mul3A_399 : i32
      %multiple_of3A_401 = tpu.assume_multiple %mul3A_400, 128 : i32
      %dma_start3A_402 = arith.constant 0 : i32
      %dma_start3A_403 = tpu.memref_slice %arg3[%dma_start3A_402, %multiple_of3A_401] : memref<2x320000xi32, #tpu.memory_space<hbm>> -> memref<2x128xi32, #tpu.memory_space<hbm>>
      %dma_start3A_404 = arith.constant 0 : i32
      %dma_start3A_405 = tpu.memref_slice %arg3[%dma_start3A_404, %multiple_of3A_401] : memref<2x320000xi32, #tpu.memory_space<hbm>> -> memref<2x128xi32, #tpu.memory_space<hbm>>
      tpu.enqueue_dma source(%dma_start3A_405 : memref<2x128xi32, #tpu.memory_space<hbm>>) target(%arg10 : memref<2x128xi32, #tpu.memory_space<vmem>>) target_semaphore(%arg16 : memref<!tpu.dma_semaphore, #tpu.memory_space<semaphore_mem>>)
      %add3A_406 = arith.constant 0 : i32
      %add3A_407 = arith.addi %mul3A_315, %add3A_406 : i32
      %dma_wait3A_408 = arith.constant 1 : i32
      %dma_wait3A_409 = arith.constant 0 : i32
      %dma_wait3A_410 = tpu.memref_slice %arg5[%dma_wait3A_408, %dma_wait3A_409] : memref<2x128xi32, #tpu.memory_space<vmem>> -> memref<1x128xi32, #tpu.memory_space<vmem>>
      %dma_wait3A_411 = tpu.memref_squeeze %dma_wait3A_410 : memref<1x128xi32, #tpu.memory_space<vmem>> -> memref<128xi32, #tpu.memory_space<vmem>>
      %dma_wait3A_412 = arith.constant 0 : i32
      %dma_wait3A_413 = arith.constant 0 : i32
      %dma_wait3A_414 = tpu.memref_slice %arg26[%dma_wait3A_412, %dma_wait3A_413] : memref<10000x128xf32, #tpu.memory_space<vmem_shared>> -> memref<10000x128xf32, #tpu.memory_space<vmem_shared>>
      tpu.wait_indirect_dma semaphore(%arg23 : memref<!tpu.dma_semaphore, #tpu.memory_space<semaphore_mem>>) src(%arg17 : memref<128x128xf32, #tpu.memory_space<vmem>>) dst(%dma_wait3A_414 : memref<10000x128xf32, #tpu.memory_space<vmem_shared>>)
      %add3A_415 = arith.constant 3 : i32
      %add3A_416 = arith.addi %mul3A_315, %add3A_415 : i32
      %add3A_417 = arith.constant 0 : i32
      %add3A_418 = arith.addi %add3A_416, %add3A_417 : i32
      %add3A_419 = arith.addi %mul3A_2, %add3A_418 : i32
      %mul3A_420 = arith.constant 128 : i32
      %mul3A_421 = arith.muli %add3A_419, %mul3A_420 : i32
      %multiple_of3A_422 = tpu.assume_multiple %mul3A_421, 128 : i32
      %dma_wait3A_423 = arith.constant 0 : i32
      %dma_wait3A_424 = tpu.memref_slice %arg3[%dma_wait3A_423, %multiple_of3A_422] : memref<2x320000xi32, #tpu.memory_space<hbm>> -> memref<2x128xi32, #tpu.memory_space<hbm>>
      %dma_wait3A_425 = arith.constant 0 : i32
      %dma_wait3A_426 = tpu.memref_slice %arg3[%dma_wait3A_425, %multiple_of3A_422] : memref<2x320000xi32, #tpu.memory_space<hbm>> -> memref<2x128xi32, #tpu.memory_space<hbm>>
      tpu.wait_dma2 semaphore(%arg14 : memref<!tpu.dma_semaphore, #tpu.memory_space<semaphore_mem>>) src(%dma_wait3A_426 : memref<2x128xi32, #tpu.memory_space<hbm>>) dst(%arg8 : memref<2x128xi32, #tpu.memory_space<vmem>>)
      %add3A_427 = arith.constant 3 : i32
      %add3A_428 = arith.addi %mul3A_315, %add3A_427 : i32
      %add3A_429 = arith.constant 0 : i32
      %add3A_430 = arith.addi %add3A_428, %add3A_429 : i32
      %dma_start3A_431 = arith.constant 0 : i32
      %dma_start3A_432 = arith.constant 0 : i32
      %dma_start3A_433 = tpu.memref_slice %arg8[%dma_start3A_431, %dma_start3A_432] : memref<2x128xi32, #tpu.memory_space<vmem>> -> memref<1x128xi32, #tpu.memory_space<vmem>>
      %dma_start3A_434 = tpu.memref_squeeze %dma_start3A_433 : memref<1x128xi32, #tpu.memory_space<vmem>> -> memref<128xi32, #tpu.memory_space<vmem>>
      %dma_start3A_435 = arith.constant 0 : i32
      %dma_start3A_436 = arith.constant 0 : i32
      %dma_start3A_437 = tpu.memref_slice %arg2[%dma_start3A_435, %dma_start3A_436] : memref<10000x128xf32, #tpu.memory_space<hbm>> -> memref<10000x128xf32, #tpu.memory_space<hbm>>
      tpu.enqueue_indirect_dma source(%dma_start3A_437 : memref<10000x128xf32, #tpu.memory_space<hbm>>) target(%arg17 : memref<128x128xf32, #tpu.memory_space<vmem>>) offsets(%dma_start3A_434 : memref<128xi32, #tpu.memory_space<vmem>>) semaphore(%arg20 : memref<!tpu.dma_semaphore, #tpu.memory_space<semaphore_mem>>)
      %add3A_438 = arith.constant 1 : i32
      %add3A_439 = arith.addi %mul3A_315, %add3A_438 : i32
      %dma_wait3A_440 = arith.constant 1 : i32
      %dma_wait3A_441 = arith.constant 0 : i32
      %dma_wait3A_442 = tpu.memref_slice %arg6[%dma_wait3A_440, %dma_wait3A_441] : memref<2x128xi32, #tpu.memory_space<vmem>> -> memref<1x128xi32, #tpu.memory_space<vmem>>
      %dma_wait3A_443 = tpu.memref_squeeze %dma_wait3A_442 : memref<1x128xi32, #tpu.memory_space<vmem>> -> memref<128xi32, #tpu.memory_space<vmem>>
      %dma_wait3A_444 = arith.constant 0 : i32
      %dma_wait3A_445 = arith.constant 0 : i32
      %dma_wait3A_446 = tpu.memref_slice %arg26[%dma_wait3A_444, %dma_wait3A_445] : memref<10000x128xf32, #tpu.memory_space<vmem_shared>> -> memref<10000x128xf32, #tpu.memory_space<vmem_shared>>
      tpu.wait_indirect_dma semaphore(%arg24 : memref<!tpu.dma_semaphore, #tpu.memory_space<semaphore_mem>>) src(%arg18 : memref<128x128xf32, #tpu.memory_space<vmem>>) dst(%dma_wait3A_446 : memref<10000x128xf32, #tpu.memory_space<vmem_shared>>)
      %add3A_447 = arith.constant 3 : i32
      %add3A_448 = arith.addi %mul3A_315, %add3A_447 : i32
      %add3A_449 = arith.constant 1 : i32
      %add3A_450 = arith.addi %add3A_448, %add3A_449 : i32
      %add3A_451 = arith.addi %mul3A_2, %add3A_450 : i32
      %mul3A_452 = arith.constant 128 : i32
      %mul3A_453 = arith.muli %add3A_451, %mul3A_452 : i32
      %multiple_of3A_454 = tpu.assume_multiple %mul3A_453, 128 : i32
      %dma_wait3A_455 = arith.constant 0 : i32
      %dma_wait3A_456 = tpu.memref_slice %arg3[%dma_wait3A_455, %multiple_of3A_454] : memref<2x320000xi32, #tpu.memory_space<hbm>> -> memref<2x128xi32, #tpu.memory_space<hbm>>
      %dma_wait3A_457 = arith.constant 0 : i32
      %dma_wait3A_458 = tpu.memref_slice %arg3[%dma_wait3A_457, %multiple_of3A_454] : memref<2x320000xi32, #tpu.memory_space<hbm>> -> memref<2x128xi32, #tpu.memory_space<hbm>>
      tpu.wait_dma2 semaphore(%arg15 : memref<!tpu.dma_semaphore, #tpu.memory_space<semaphore_mem>>) src(%dma_wait3A_458 : memref<2x128xi32, #tpu.memory_space<hbm>>) dst(%arg9 : memref<2x128xi32, #tpu.memory_space<vmem>>)
      %add3A_459 = arith.constant 3 : i32
      %add3A_460 = arith.addi %mul3A_315, %add3A_459 : i32
      %add3A_461 = arith.constant 1 : i32
      %add3A_462 = arith.addi %add3A_460, %add3A_461 : i32
      %dma_start3A_463 = arith.constant 0 : i32
      %dma_start3A_464 = arith.constant 0 : i32
      %dma_start3A_465 = tpu.memref_slice %arg9[%dma_start3A_463, %dma_start3A_464] : memref<2x128xi32, #tpu.memory_space<vmem>> -> memref<1x128xi32, #tpu.memory_space<vmem>>
      %dma_start3A_466 = tpu.memref_squeeze %dma_start3A_465 : memref<1x128xi32, #tpu.memory_space<vmem>> -> memref<128xi32, #tpu.memory_space<vmem>>
      %dma_start3A_467 = arith.constant 0 : i32
      %dma_start3A_468 = arith.constant 0 : i32
      %dma_start3A_469 = tpu.memref_slice %arg2[%dma_start3A_467, %dma_start3A_468] : memref<10000x128xf32, #tpu.memory_space<hbm>> -> memref<10000x128xf32, #tpu.memory_space<hbm>>
      tpu.enqueue_indirect_dma source(%dma_start3A_469 : memref<10000x128xf32, #tpu.memory_space<hbm>>) target(%arg18 : memref<128x128xf32, #tpu.memory_space<vmem>>) offsets(%dma_start3A_466 : memref<128xi32, #tpu.memory_space<vmem>>) semaphore(%arg21 : memref<!tpu.dma_semaphore, #tpu.memory_space<semaphore_mem>>)
      %add3A_470 = arith.constant 2 : i32
      %add3A_471 = arith.addi %mul3A_315, %add3A_470 : i32
      %dma_wait3A_472 = arith.constant 1 : i32
      %dma_wait3A_473 = arith.constant 0 : i32
      %dma_wait3A_474 = tpu.memref_slice %arg7[%dma_wait3A_472, %dma_wait3A_473] : memref<2x128xi32, #tpu.memory_space<vmem>> -> memref<1x128xi32, #tpu.memory_space<vmem>>
      %dma_wait3A_475 = tpu.memref_squeeze %dma_wait3A_474 : memref<1x128xi32, #tpu.memory_space<vmem>> -> memref<128xi32, #tpu.memory_space<vmem>>
      %dma_wait3A_476 = arith.constant 0 : i32
      %dma_wait3A_477 = arith.constant 0 : i32
      %dma_wait3A_478 = tpu.memref_slice %arg26[%dma_wait3A_476, %dma_wait3A_477] : memref<10000x128xf32, #tpu.memory_space<vmem_shared>> -> memref<10000x128xf32, #tpu.memory_space<vmem_shared>>
      tpu.wait_indirect_dma semaphore(%arg25 : memref<!tpu.dma_semaphore, #tpu.memory_space<semaphore_mem>>) src(%arg19 : memref<128x128xf32, #tpu.memory_space<vmem>>) dst(%dma_wait3A_478 : memref<10000x128xf32, #tpu.memory_space<vmem_shared>>)
      %add3A_479 = arith.constant 3 : i32
      %add3A_480 = arith.addi %mul3A_315, %add3A_479 : i32
      %add3A_481 = arith.constant 2 : i32
      %add3A_482 = arith.addi %add3A_480, %add3A_481 : i32
      %add3A_483 = arith.addi %mul3A_2, %add3A_482 : i32
      %mul3A_484 = arith.constant 128 : i32
      %mul3A_485 = arith.muli %add3A_483, %mul3A_484 : i32
      %multiple_of3A_486 = tpu.assume_multiple %mul3A_485, 128 : i32
      %dma_wait3A_487 = arith.constant 0 : i32
      %dma_wait3A_488 = tpu.memref_slice %arg3[%dma_wait3A_487, %multiple_of3A_486] : memref<2x320000xi32, #tpu.memory_space<hbm>> -> memref<2x128xi32, #tpu.memory_space<hbm>>
      %dma_wait3A_489 = arith.constant 0 : i32
      %dma_wait3A_490 = tpu.memref_slice %arg3[%dma_wait3A_489, %multiple_of3A_486] : memref<2x320000xi32, #tpu.memory_space<hbm>> -> memref<2x128xi32, #tpu.memory_space<hbm>>
      tpu.wait_dma2 semaphore(%arg16 : memref<!tpu.dma_semaphore, #tpu.memory_space<semaphore_mem>>) src(%dma_wait3A_490 : memref<2x128xi32, #tpu.memory_space<hbm>>) dst(%arg10 : memref<2x128xi32, #tpu.memory_space<vmem>>)
      %add3A_491 = arith.constant 3 : i32
      %add3A_492 = arith.addi %mul3A_315, %add3A_491 : i32
      %add3A_493 = arith.constant 2 : i32
      %add3A_494 = arith.addi %add3A_492, %add3A_493 : i32
      %dma_start3A_495 = arith.constant 0 : i32
      %dma_start3A_496 = arith.constant 0 : i32
      %dma_start3A_497 = tpu.memref_slice %arg10[%dma_start3A_495, %dma_start3A_496] : memref<2x128xi32, #tpu.memory_space<vmem>> -> memref<1x128xi32, #tpu.memory_space<vmem>>
      %dma_start3A_498 = tpu.memref_squeeze %dma_start3A_497 : memref<1x128xi32, #tpu.memory_space<vmem>> -> memref<128xi32, #tpu.memory_space<vmem>>
      %dma_start3A_499 = arith.constant 0 : i32
      %dma_start3A_500 = arith.constant 0 : i32
      %dma_start3A_501 = tpu.memref_slice %arg2[%dma_start3A_499, %dma_start3A_500] : memref<10000x128xf32, #tpu.memory_space<hbm>> -> memref<10000x128xf32, #tpu.memory_space<hbm>>
      tpu.enqueue_indirect_dma source(%dma_start3A_501 : memref<10000x128xf32, #tpu.memory_space<hbm>>) target(%arg19 : memref<128x128xf32, #tpu.memory_space<vmem>>) offsets(%dma_start3A_498 : memref<128xi32, #tpu.memory_space<vmem>>) semaphore(%arg22 : memref<!tpu.dma_semaphore, #tpu.memory_space<semaphore_mem>>)
      %mul3A_502 = arith.constant 2 : i32
      %mul3A_503 = arith.muli %mul3A_502, %scan3A_311 : i32
      %add3A_504 = arith.constant 1 : i32
      %add3A_505 = arith.addi %mul3A_503, %add3A_504 : i32
      %mul3A_506 = arith.constant 3 : i32
      %mul3A_507 = arith.muli %add3A_505, %mul3A_506 : i32
      %add3A_508 = arith.constant 0 : i32
      %add3A_509 = arith.addi %mul3A_507, %add3A_508 : i32
      %dma_wait3A_510 = arith.constant 0 : i32
      %dma_wait3A_511 = arith.constant 0 : i32
      %dma_wait3A_512 = tpu.memref_slice %arg8[%dma_wait3A_510, %dma_wait3A_511] : memref<2x128xi32, #tpu.memory_space<vmem>> -> memref<1x128xi32, #tpu.memory_space<vmem>>
      %dma_wait3A_513 = tpu.memref_squeeze %dma_wait3A_512 : memref<1x128xi32, #tpu.memory_space<vmem>> -> memref<128xi32, #tpu.memory_space<vmem>>
      %dma_wait3A_514 = arith.constant 0 : i32
      %dma_wait3A_515 = arith.constant 0 : i32
      %dma_wait3A_516 = tpu.memref_slice %arg2[%dma_wait3A_514, %dma_wait3A_515] : memref<10000x128xf32, #tpu.memory_space<hbm>> -> memref<10000x128xf32, #tpu.memory_space<hbm>>
      tpu.wait_indirect_dma semaphore(%arg20 : memref<!tpu.dma_semaphore, #tpu.memory_space<semaphore_mem>>) src(%dma_wait3A_516 : memref<10000x128xf32, #tpu.memory_space<hbm>>) dst(%arg17 : memref<128x128xf32, #tpu.memory_space<vmem>>)
      %add3A_517 = arith.constant 0 : i32
      %add3A_518 = arith.addi %mul3A_507, %add3A_517 : i32
      %dma_start3A_519 = arith.constant 1 : i32
      %dma_start3A_520 = arith.constant 0 : i32
      %dma_start3A_521 = tpu.memref_slice %arg8[%dma_start3A_519, %dma_start3A_520] : memref<2x128xi32, #tpu.memory_space<vmem>> -> memref<1x128xi32, #tpu.memory_space<vmem>>
      %dma_start3A_522 = tpu.memref_squeeze %dma_start3A_521 : memref<1x128xi32, #tpu.memory_space<vmem>> -> memref<128xi32, #tpu.memory_space<vmem>>
      %dma_start3A_523 = arith.constant 0 : i32
      %dma_start3A_524 = arith.constant 0 : i32
      %dma_start3A_525 = tpu.memref_slice %arg26[%dma_start3A_523, %dma_start3A_524] : memref<10000x128xf32, #tpu.memory_space<vmem_shared>> -> memref<10000x128xf32, #tpu.memory_space<vmem_shared>>
      tpu.enqueue_indirect_dma source(%arg17 : memref<128x128xf32, #tpu.memory_space<vmem>>) target(%dma_start3A_525 : memref<10000x128xf32, #tpu.memory_space<vmem_shared>>) offsets(%dma_start3A_522 : memref<128xi32, #tpu.memory_space<vmem>>) semaphore(%arg23 : memref<!tpu.dma_semaphore, #tpu.memory_space<semaphore_mem>>) {add = true}
      %add3A_526 = arith.constant 3 : i32
      %add3A_527 = arith.addi %mul3A_507, %add3A_526 : i32
      %add3A_528 = arith.constant 0 : i32
      %add3A_529 = arith.addi %add3A_527, %add3A_528 : i32
      %add3A_530 = arith.addi %mul3A_2, %add3A_529 : i32
      %mul3A_531 = arith.constant 128 : i32
      %mul3A_532 = arith.muli %add3A_530, %mul3A_531 : i32
      %multiple_of3A_533 = tpu.assume_multiple %mul3A_532, 128 : i32
      %dma_start3A_534 = arith.constant 0 : i32
      %dma_start3A_535 = tpu.memref_slice %arg3[%dma_start3A_534, %multiple_of3A_533] : memref<2x320000xi32, #tpu.memory_space<hbm>> -> memref<2x128xi32, #tpu.memory_space<hbm>>
      %dma_start3A_536 = arith.constant 0 : i32
      %dma_start3A_537 = tpu.memref_slice %arg3[%dma_start3A_536, %multiple_of3A_533] : memref<2x320000xi32, #tpu.memory_space<hbm>> -> memref<2x128xi32, #tpu.memory_space<hbm>>
      tpu.enqueue_dma source(%dma_start3A_537 : memref<2x128xi32, #tpu.memory_space<hbm>>) target(%arg5 : memref<2x128xi32, #tpu.memory_space<vmem>>) target_semaphore(%arg11 : memref<!tpu.dma_semaphore, #tpu.memory_space<semaphore_mem>>)
      %add3A_538 = arith.constant 1 : i32
      %add3A_539 = arith.addi %mul3A_507, %add3A_538 : i32
      %dma_wait3A_540 = arith.constant 0 : i32
      %dma_wait3A_541 = arith.constant 0 : i32
      %dma_wait3A_542 = tpu.memref_slice %arg9[%dma_wait3A_540, %dma_wait3A_541] : memref<2x128xi32, #tpu.memory_space<vmem>> -> memref<1x128xi32, #tpu.memory_space<vmem>>
      %dma_wait3A_543 = tpu.memref_squeeze %dma_wait3A_542 : memref<1x128xi32, #tpu.memory_space<vmem>> -> memref<128xi32, #tpu.memory_space<vmem>>
      %dma_wait3A_544 = arith.constant 0 : i32
      %dma_wait3A_545 = arith.constant 0 : i32
      %dma_wait3A_546 = tpu.memref_slice %arg2[%dma_wait3A_544, %dma_wait3A_545] : memref<10000x128xf32, #tpu.memory_space<hbm>> -> memref<10000x128xf32, #tpu.memory_space<hbm>>
      tpu.wait_indirect_dma semaphore(%arg21 : memref<!tpu.dma_semaphore, #tpu.memory_space<semaphore_mem>>) src(%dma_wait3A_546 : memref<10000x128xf32, #tpu.memory_space<hbm>>) dst(%arg18 : memref<128x128xf32, #tpu.memory_space<vmem>>)
      %add3A_547 = arith.constant 1 : i32
      %add3A_548 = arith.addi %mul3A_507, %add3A_547 : i32
      %dma_start3A_549 = arith.constant 1 : i32
      %dma_start3A_550 = arith.constant 0 : i32
      %dma_start3A_551 = tpu.memref_slice %arg9[%dma_start3A_549, %dma_start3A_550] : memref<2x128xi32, #tpu.memory_space<vmem>> -> memref<1x128xi32, #tpu.memory_space<vmem>>
      %dma_start3A_552 = tpu.memref_squeeze %dma_start3A_551 : memref<1x128xi32, #tpu.memory_space<vmem>> -> memref<128xi32, #tpu.memory_space<vmem>>
      %dma_start3A_553 = arith.constant 0 : i32
      %dma_start3A_554 = arith.constant 0 : i32
      %dma_start3A_555 = tpu.memref_slice %arg26[%dma_start3A_553, %dma_start3A_554] : memref<10000x128xf32, #tpu.memory_space<vmem_shared>> -> memref<10000x128xf32, #tpu.memory_space<vmem_shared>>
      tpu.enqueue_indirect_dma source(%arg18 : memref<128x128xf32, #tpu.memory_space<vmem>>) target(%dma_start3A_555 : memref<10000x128xf32, #tpu.memory_space<vmem_shared>>) offsets(%dma_start3A_552 : memref<128xi32, #tpu.memory_space<vmem>>) semaphore(%arg24 : memref<!tpu.dma_semaphore, #tpu.memory_space<semaphore_mem>>) {add = true}
      %add3A_556 = arith.constant 3 : i32
      %add3A_557 = arith.addi %mul3A_507, %add3A_556 : i32
      %add3A_558 = arith.constant 1 : i32
      %add3A_559 = arith.addi %add3A_557, %add3A_558 : i32
      %add3A_560 = arith.addi %mul3A_2, %add3A_559 : i32
      %mul3A_561 = arith.constant 128 : i32
      %mul3A_562 = arith.muli %add3A_560, %mul3A_561 : i32
      %multiple_of3A_563 = tpu.assume_multiple %mul3A_562, 128 : i32
      %dma_start3A_564 = arith.constant 0 : i32
      %dma_start3A_565 = tpu.memref_slice %arg3[%dma_start3A_564, %multiple_of3A_563] : memref<2x320000xi32, #tpu.memory_space<hbm>> -> memref<2x128xi32, #tpu.memory_space<hbm>>
      %dma_start3A_566 = arith.constant 0 : i32
      %dma_start3A_567 = tpu.memref_slice %arg3[%dma_start3A_566, %multiple_of3A_563] : memref<2x320000xi32, #tpu.memory_space<hbm>> -> memref<2x128xi32, #tpu.memory_space<hbm>>
      tpu.enqueue_dma source(%dma_start3A_567 : memref<2x128xi32, #tpu.memory_space<hbm>>) target(%arg6 : memref<2x128xi32, #tpu.memory_space<vmem>>) target_semaphore(%arg12 : memref<!tpu.dma_semaphore, #tpu.memory_space<semaphore_mem>>)
      %add3A_568 = arith.constant 2 : i32
      %add3A_569 = arith.addi %mul3A_507, %add3A_568 : i32
      %dma_wait3A_570 = arith.constant 0 : i32
      %dma_wait3A_571 = arith.constant 0 : i32
      %dma_wait3A_572 = tpu.memref_slice %arg10[%dma_wait3A_570, %dma_wait3A_571] : memref<2x128xi32, #tpu.memory_space<vmem>> -> memref<1x128xi32, #tpu.memory_space<vmem>>
      %dma_wait3A_573 = tpu.memref_squeeze %dma_wait3A_572 : memref<1x128xi32, #tpu.memory_space<vmem>> -> memref<128xi32, #tpu.memory_space<vmem>>
      %dma_wait3A_574 = arith.constant 0 : i32
      %dma_wait3A_575 = arith.constant 0 : i32
      %dma_wait3A_576 = tpu.memref_slice %arg2[%dma_wait3A_574, %dma_wait3A_575] : memref<10000x128xf32, #tpu.memory_space<hbm>> -> memref<10000x128xf32, #tpu.memory_space<hbm>>
      tpu.wait_indirect_dma semaphore(%arg22 : memref<!tpu.dma_semaphore, #tpu.memory_space<semaphore_mem>>) src(%dma_wait3A_576 : memref<10000x128xf32, #tpu.memory_space<hbm>>) dst(%arg19 : memref<128x128xf32, #tpu.memory_space<vmem>>)
      %add3A_577 = arith.constant 2 : i32
      %add3A_578 = arith.addi %mul3A_507, %add3A_577 : i32
      %dma_start3A_579 = arith.constant 1 : i32
      %dma_start3A_580 = arith.constant 0 : i32
      %dma_start3A_581 = tpu.memref_slice %arg10[%dma_start3A_579, %dma_start3A_580] : memref<2x128xi32, #tpu.memory_space<vmem>> -> memref<1x128xi32, #tpu.memory_space<vmem>>
      %dma_start3A_582 = tpu.memref_squeeze %dma_start3A_581 : memref<1x128xi32, #tpu.memory_space<vmem>> -> memref<128xi32, #tpu.memory_space<vmem>>
      %dma_start3A_583 = arith.constant 0 : i32
      %dma_start3A_584 = arith.constant 0 : i32
      %dma_start3A_585 = tpu.memref_slice %arg26[%dma_start3A_583, %dma_start3A_584] : memref<10000x128xf32, #tpu.memory_space<vmem_shared>> -> memref<10000x128xf32, #tpu.memory_space<vmem_shared>>
      tpu.enqueue_indirect_dma source(%arg19 : memref<128x128xf32, #tpu.memory_space<vmem>>) target(%dma_start3A_585 : memref<10000x128xf32, #tpu.memory_space<vmem_shared>>) offsets(%dma_start3A_582 : memref<128xi32, #tpu.memory_space<vmem>>) semaphore(%arg25 : memref<!tpu.dma_semaphore, #tpu.memory_space<semaphore_mem>>) {add = true}
      %add3A_586 = arith.constant 3 : i32
      %add3A_587 = arith.addi %mul3A_507, %add3A_586 : i32
      %add3A_588 = arith.constant 2 : i32
      %add3A_589 = arith.addi %add3A_587, %add3A_588 : i32
      %add3A_590 = arith.addi %mul3A_2, %add3A_589 : i32
      %mul3A_591 = arith.constant 128 : i32
      %mul3A_592 = arith.muli %add3A_590, %mul3A_591 : i32
      %multiple_of3A_593 = tpu.assume_multiple %mul3A_592, 128 : i32
      %dma_start3A_594 = arith.constant 0 : i32
      %dma_start3A_595 = tpu.memref_slice %arg3[%dma_start3A_594, %multiple_of3A_593] : memref<2x320000xi32, #tpu.memory_space<hbm>> -> memref<2x128xi32, #tpu.memory_space<hbm>>
      %dma_start3A_596 = arith.constant 0 : i32
      %dma_start3A_597 = tpu.memref_slice %arg3[%dma_start3A_596, %multiple_of3A_593] : memref<2x320000xi32, #tpu.memory_space<hbm>> -> memref<2x128xi32, #tpu.memory_space<hbm>>
      tpu.enqueue_dma source(%dma_start3A_597 : memref<2x128xi32, #tpu.memory_space<hbm>>) target(%arg7 : memref<2x128xi32, #tpu.memory_space<vmem>>) target_semaphore(%arg13 : memref<!tpu.dma_semaphore, #tpu.memory_space<semaphore_mem>>)
      %add3A_598 = arith.constant 0 : i32
      %add3A_599 = arith.addi %mul3A_507, %add3A_598 : i32
      %dma_wait3A_600 = arith.constant 1 : i32
      %dma_wait3A_601 = arith.constant 0 : i32
      %dma_wait3A_602 = tpu.memref_slice %arg8[%dma_wait3A_600, %dma_wait3A_601] : memref<2x128xi32, #tpu.memory_space<vmem>> -> memref<1x128xi32, #tpu.memory_space<vmem>>
      %dma_wait3A_603 = tpu.memref_squeeze %dma_wait3A_602 : memref<1x128xi32, #tpu.memory_space<vmem>> -> memref<128xi32, #tpu.memory_space<vmem>>
      %dma_wait3A_604 = arith.constant 0 : i32
      %dma_wait3A_605 = arith.constant 0 : i32
      %dma_wait3A_606 = tpu.memref_slice %arg26[%dma_wait3A_604, %dma_wait3A_605] : memref<10000x128xf32, #tpu.memory_space<vmem_shared>> -> memref<10000x128xf32, #tpu.memory_space<vmem_shared>>
      tpu.wait_indirect_dma semaphore(%arg23 : memref<!tpu.dma_semaphore, #tpu.memory_space<semaphore_mem>>) src(%arg17 : memref<128x128xf32, #tpu.memory_space<vmem>>) dst(%dma_wait3A_606 : memref<10000x128xf32, #tpu.memory_space<vmem_shared>>)
      %add3A_607 = arith.constant 3 : i32
      %add3A_608 = arith.addi %mul3A_507, %add3A_607 : i32
      %add3A_609 = arith.constant 0 : i32
      %add3A_610 = arith.addi %add3A_608, %add3A_609 : i32
      %add3A_611 = arith.addi %mul3A_2, %add3A_610 : i32
      %mul3A_612 = arith.constant 128 : i32
      %mul3A_613 = arith.muli %add3A_611, %mul3A_612 : i32
      %multiple_of3A_614 = tpu.assume_multiple %mul3A_613, 128 : i32
      %dma_wait3A_615 = arith.constant 0 : i32
      %dma_wait3A_616 = tpu.memref_slice %arg3[%dma_wait3A_615, %multiple_of3A_614] : memref<2x320000xi32, #tpu.memory_space<hbm>> -> memref<2x128xi32, #tpu.memory_space<hbm>>
      %dma_wait3A_617 = arith.constant 0 : i32
      %dma_wait3A_618 = tpu.memref_slice %arg3[%dma_wait3A_617, %multiple_of3A_614] : memref<2x320000xi32, #tpu.memory_space<hbm>> -> memref<2x128xi32, #tpu.memory_space<hbm>>
      tpu.wait_dma2 semaphore(%arg11 : memref<!tpu.dma_semaphore, #tpu.memory_space<semaphore_mem>>) src(%dma_wait3A_618 : memref<2x128xi32, #tpu.memory_space<hbm>>) dst(%arg5 : memref<2x128xi32, #tpu.memory_space<vmem>>)
      %add3A_619 = arith.constant 3 : i32
      %add3A_620 = arith.addi %mul3A_507, %add3A_619 : i32
      %add3A_621 = arith.constant 0 : i32
      %add3A_622 = arith.addi %add3A_620, %add3A_621 : i32
      %dma_start3A_623 = arith.constant 0 : i32
      %dma_start3A_624 = arith.constant 0 : i32
      %dma_start3A_625 = tpu.memref_slice %arg5[%dma_start3A_623, %dma_start3A_624] : memref<2x128xi32, #tpu.memory_space<vmem>> -> memref<1x128xi32, #tpu.memory_space<vmem>>
      %dma_start3A_626 = tpu.memref_squeeze %dma_start3A_625 : memref<1x128xi32, #tpu.memory_space<vmem>> -> memref<128xi32, #tpu.memory_space<vmem>>
      %dma_start3A_627 = arith.constant 0 : i32
      %dma_start3A_628 = arith.constant 0 : i32
      %dma_start3A_629 = tpu.memref_slice %arg2[%dma_start3A_627, %dma_start3A_628] : memref<10000x128xf32, #tpu.memory_space<hbm>> -> memref<10000x128xf32, #tpu.memory_space<hbm>>
      tpu.enqueue_indirect_dma source(%dma_start3A_629 : memref<10000x128xf32, #tpu.memory_space<hbm>>) target(%arg17 : memref<128x128xf32, #tpu.memory_space<vmem>>) offsets(%dma_start3A_626 : memref<128xi32, #tpu.memory_space<vmem>>) semaphore(%arg20 : memref<!tpu.dma_semaphore, #tpu.memory_space<semaphore_mem>>)
      %add3A_630 = arith.constant 1 : i32
      %add3A_631 = arith.addi %mul3A_507, %add3A_630 : i32
      %dma_wait3A_632 = arith.constant 1 : i32
      %dma_wait3A_633 = arith.constant 0 : i32
      %dma_wait3A_634 = tpu.memref_slice %arg9[%dma_wait3A_632, %dma_wait3A_633] : memref<2x128xi32, #tpu.memory_space<vmem>> -> memref<1x128xi32, #tpu.memory_space<vmem>>
      %dma_wait3A_635 = tpu.memref_squeeze %dma_wait3A_634 : memref<1x128xi32, #tpu.memory_space<vmem>> -> memref<128xi32, #tpu.memory_space<vmem>>
      %dma_wait3A_636 = arith.constant 0 : i32
      %dma_wait3A_637 = arith.constant 0 : i32
      %dma_wait3A_638 = tpu.memref_slice %arg26[%dma_wait3A_636, %dma_wait3A_637] : memref<10000x128xf32, #tpu.memory_space<vmem_shared>> -> memref<10000x128xf32, #tpu.memory_space<vmem_shared>>
      tpu.wait_indirect_dma semaphore(%arg24 : memref<!tpu.dma_semaphore, #tpu.memory_space<semaphore_mem>>) src(%arg18 : memref<128x128xf32, #tpu.memory_space<vmem>>) dst(%dma_wait3A_638 : memref<10000x128xf32, #tpu.memory_space<vmem_shared>>)
      %add3A_639 = arith.constant 3 : i32
      %add3A_640 = arith.addi %mul3A_507, %add3A_639 : i32
      %add3A_641 = arith.constant 1 : i32
      %add3A_642 = arith.addi %add3A_640, %add3A_641 : i32
      %add3A_643 = arith.addi %mul3A_2, %add3A_642 : i32
      %mul3A_644 = arith.constant 128 : i32
      %mul3A_645 = arith.muli %add3A_643, %mul3A_644 : i32
      %multiple_of3A_646 = tpu.assume_multiple %mul3A_645, 128 : i32
      %dma_wait3A_647 = arith.constant 0 : i32
      %dma_wait3A_648 = tpu.memref_slice %arg3[%dma_wait3A_647, %multiple_of3A_646] : memref<2x320000xi32, #tpu.memory_space<hbm>> -> memref<2x128xi32, #tpu.memory_space<hbm>>
      %dma_wait3A_649 = arith.constant 0 : i32
      %dma_wait3A_650 = tpu.memref_slice %arg3[%dma_wait3A_649, %multiple_of3A_646] : memref<2x320000xi32, #tpu.memory_space<hbm>> -> memref<2x128xi32, #tpu.memory_space<hbm>>
      tpu.wait_dma2 semaphore(%arg12 : memref<!tpu.dma_semaphore, #tpu.memory_space<semaphore_mem>>) src(%dma_wait3A_650 : memref<2x128xi32, #tpu.memory_space<hbm>>) dst(%arg6 : memref<2x128xi32, #tpu.memory_space<vmem>>)
      %add3A_651 = arith.constant 3 : i32
      %add3A_652 = arith.addi %mul3A_507, %add3A_651 : i32
      %add3A_653 = arith.constant 1 : i32
      %add3A_654 = arith.addi %add3A_652, %add3A_653 : i32
      %dma_start3A_655 = arith.constant 0 : i32
      %dma_start3A_656 = arith.constant 0 : i32
      %dma_start3A_657 = tpu.memref_slice %arg6[%dma_start3A_655, %dma_start3A_656] : memref<2x128xi32, #tpu.memory_space<vmem>> -> memref<1x128xi32, #tpu.memory_space<vmem>>
      %dma_start3A_658 = tpu.memref_squeeze %dma_start3A_657 : memref<1x128xi32, #tpu.memory_space<vmem>> -> memref<128xi32, #tpu.memory_space<vmem>>
      %dma_start3A_659 = arith.constant 0 : i32
      %dma_start3A_660 = arith.constant 0 : i32
      %dma_start3A_661 = tpu.memref_slice %arg2[%dma_start3A_659, %dma_start3A_660] : memref<10000x128xf32, #tpu.memory_space<hbm>> -> memref<10000x128xf32, #tpu.memory_space<hbm>>
      tpu.enqueue_indirect_dma source(%dma_start3A_661 : memref<10000x128xf32, #tpu.memory_space<hbm>>) target(%arg18 : memref<128x128xf32, #tpu.memory_space<vmem>>) offsets(%dma_start3A_658 : memref<128xi32, #tpu.memory_space<vmem>>) semaphore(%arg21 : memref<!tpu.dma_semaphore, #tpu.memory_space<semaphore_mem>>)
      %add3A_662 = arith.constant 2 : i32
      %add3A_663 = arith.addi %mul3A_507, %add3A_662 : i32
      %dma_wait3A_664 = arith.constant 1 : i32
      %dma_wait3A_665 = arith.constant 0 : i32
      %dma_wait3A_666 = tpu.memref_slice %arg10[%dma_wait3A_664, %dma_wait3A_665] : memref<2x128xi32, #tpu.memory_space<vmem>> -> memref<1x128xi32, #tpu.memory_space<vmem>>
      %dma_wait3A_667 = tpu.memref_squeeze %dma_wait3A_666 : memref<1x128xi32, #tpu.memory_space<vmem>> -> memref<128xi32, #tpu.memory_space<vmem>>
      %dma_wait3A_668 = arith.constant 0 : i32
      %dma_wait3A_669 = arith.constant 0 : i32
      %dma_wait3A_670 = tpu.memref_slice %arg26[%dma_wait3A_668, %dma_wait3A_669] : memref<10000x128xf32, #tpu.memory_space<vmem_shared>> -> memref<10000x128xf32, #tpu.memory_space<vmem_shared>>
      tpu.wait_indirect_dma semaphore(%arg25 : memref<!tpu.dma_semaphore, #tpu.memory_space<semaphore_mem>>) src(%arg19 : memref<128x128xf32, #tpu.memory_space<vmem>>) dst(%dma_wait3A_670 : memref<10000x128xf32, #tpu.memory_space<vmem_shared>>)
      %add3A_671 = arith.constant 3 : i32
      %add3A_672 = arith.addi %mul3A_507, %add3A_671 : i32
      %add3A_673 = arith.constant 2 : i32
      %add3A_674 = arith.addi %add3A_672, %add3A_673 : i32
      %add3A_675 = arith.addi %mul3A_2, %add3A_674 : i32
      %mul3A_676 = arith.constant 128 : i32
      %mul3A_677 = arith.muli %add3A_675, %mul3A_676 : i32
      %multiple_of3A_678 = tpu.assume_multiple %mul3A_677, 128 : i32
      %dma_wait3A_679 = arith.constant 0 : i32
      %dma_wait3A_680 = tpu.memref_slice %arg3[%dma_wait3A_679, %multiple_of3A_678] : memref<2x320000xi32, #tpu.memory_space<hbm>> -> memref<2x128xi32, #tpu.memory_space<hbm>>
      %dma_wait3A_681 = arith.constant 0 : i32
      %dma_wait3A_682 = tpu.memref_slice %arg3[%dma_wait3A_681, %multiple_of3A_678] : memref<2x320000xi32, #tpu.memory_space<hbm>> -> memref<2x128xi32, #tpu.memory_space<hbm>>
      tpu.wait_dma2 semaphore(%arg13 : memref<!tpu.dma_semaphore, #tpu.memory_space<semaphore_mem>>) src(%dma_wait3A_682 : memref<2x128xi32, #tpu.memory_space<hbm>>) dst(%arg7 : memref<2x128xi32, #tpu.memory_space<vmem>>)
      %add3A_683 = arith.constant 3 : i32
      %add3A_684 = arith.addi %mul3A_507, %add3A_683 : i32
      %add3A_685 = arith.constant 2 : i32
      %add3A_686 = arith.addi %add3A_684, %add3A_685 : i32
      %dma_start3A_687 = arith.constant 0 : i32
      %dma_start3A_688 = arith.constant 0 : i32
      %dma_start3A_689 = tpu.memref_slice %arg7[%dma_start3A_687, %dma_start3A_688] : memref<2x128xi32, #tpu.memory_space<vmem>> -> memref<1x128xi32, #tpu.memory_space<vmem>>
      %dma_start3A_690 = tpu.memref_squeeze %dma_start3A_689 : memref<1x128xi32, #tpu.memory_space<vmem>> -> memref<128xi32, #tpu.memory_space<vmem>>
      %dma_start3A_691 = arith.constant 0 : i32
      %dma_start3A_692 = arith.constant 0 : i32
      %dma_start3A_693 = tpu.memref_slice %arg2[%dma_start3A_691, %dma_start3A_692] : memref<10000x128xf32, #tpu.memory_space<hbm>> -> memref<10000x128xf32, #tpu.memory_space<hbm>>
      tpu.enqueue_indirect_dma source(%dma_start3A_693 : memref<10000x128xf32, #tpu.memory_space<hbm>>) target(%arg19 : memref<128x128xf32, #tpu.memory_space<vmem>>) offsets(%dma_start3A_690 : memref<128xi32, #tpu.memory_space<vmem>>) semaphore(%arg22 : memref<!tpu.dma_semaphore, #tpu.memory_space<semaphore_mem>>)
    }
    %scan3A_99 = arith.constant 12 : i32
    %dma_wait3A_100 = arith.constant 0 : i32
    %dma_wait3A_101 = arith.constant 0 : i32
    %dma_wait3A_102 = tpu.memref_slice %arg5[%dma_wait3A_100, %dma_wait3A_101] : memref<2x128xi32, #tpu.memory_space<vmem>> -> memref<1x128xi32, #tpu.memory_space<vmem>>
    %dma_wait3A_103 = tpu.memref_squeeze %dma_wait3A_102 : memref<1x128xi32, #tpu.memory_space<vmem>> -> memref<128xi32, #tpu.memory_space<vmem>>
    %dma_wait3A_104 = arith.constant 0 : i32
    %dma_wait3A_105 = arith.constant 0 : i32
    %dma_wait3A_106 = tpu.memref_slice %arg2[%dma_wait3A_104, %dma_wait3A_105] : memref<10000x128xf32, #tpu.memory_space<hbm>> -> memref<10000x128xf32, #tpu.memory_space<hbm>>
    tpu.wait_indirect_dma semaphore(%arg20 : memref<!tpu.dma_semaphore, #tpu.memory_space<semaphore_mem>>) src(%dma_wait3A_106 : memref<10000x128xf32, #tpu.memory_space<hbm>>) dst(%arg17 : memref<128x128xf32, #tpu.memory_space<vmem>>)
    %dma_start3A_107 = arith.constant 1 : i32
    %dma_start3A_108 = arith.constant 0 : i32
    %dma_start3A_109 = tpu.memref_slice %arg5[%dma_start3A_107, %dma_start3A_108] : memref<2x128xi32, #tpu.memory_space<vmem>> -> memref<1x128xi32, #tpu.memory_space<vmem>>
    %dma_start3A_110 = tpu.memref_squeeze %dma_start3A_109 : memref<1x128xi32, #tpu.memory_space<vmem>> -> memref<128xi32, #tpu.memory_space<vmem>>
    %dma_start3A_111 = arith.constant 0 : i32
    %dma_start3A_112 = arith.constant 0 : i32
    %dma_start3A_113 = tpu.memref_slice %arg26[%dma_start3A_111, %dma_start3A_112] : memref<10000x128xf32, #tpu.memory_space<vmem_shared>> -> memref<10000x128xf32, #tpu.memory_space<vmem_shared>>
    tpu.enqueue_indirect_dma source(%arg17 : memref<128x128xf32, #tpu.memory_space<vmem>>) target(%dma_start3A_113 : memref<10000x128xf32, #tpu.memory_space<vmem_shared>>) offsets(%dma_start3A_110 : memref<128xi32, #tpu.memory_space<vmem>>) semaphore(%arg23 : memref<!tpu.dma_semaphore, #tpu.memory_space<semaphore_mem>>) {add = true}
    %add3A_114 = arith.constant 75 : i32
    %add3A_115 = arith.addi %mul3A_2, %add3A_114 : i32
    %mul3A_116 = arith.constant 128 : i32
    %mul3A_117 = arith.muli %add3A_115, %mul3A_116 : i32
    %multiple_of3A_118 = tpu.assume_multiple %mul3A_117, 128 : i32
    %dma_start3A_119 = arith.constant 0 : i32
    %dma_start3A_120 = tpu.memref_slice %arg3[%dma_start3A_119, %multiple_of3A_118] : memref<2x320000xi32, #tpu.memory_space<hbm>> -> memref<2x128xi32, #tpu.memory_space<hbm>>
    %dma_start3A_121 = arith.constant 0 : i32
    %dma_start3A_122 = tpu.memref_slice %arg3[%dma_start3A_121, %multiple_of3A_118] : memref<2x320000xi32, #tpu.memory_space<hbm>> -> memref<2x128xi32, #tpu.memory_space<hbm>>
    tpu.enqueue_dma source(%dma_start3A_122 : memref<2x128xi32, #tpu.memory_space<hbm>>) target(%arg8 : memref<2x128xi32, #tpu.memory_space<vmem>>) target_semaphore(%arg14 : memref<!tpu.dma_semaphore, #tpu.memory_space<semaphore_mem>>)
    %dma_wait3A_123 = arith.constant 0 : i32
    %dma_wait3A_124 = arith.constant 0 : i32
    %dma_wait3A_125 = tpu.memref_slice %arg6[%dma_wait3A_123, %dma_wait3A_124] : memref<2x128xi32, #tpu.memory_space<vmem>> -> memref<1x128xi32, #tpu.memory_space<vmem>>
    %dma_wait3A_126 = tpu.memref_squeeze %dma_wait3A_125 : memref<1x128xi32, #tpu.memory_space<vmem>> -> memref<128xi32, #tpu.memory_space<vmem>>
    %dma_wait3A_127 = arith.constant 0 : i32
    %dma_wait3A_128 = arith.constant 0 : i32
    %dma_wait3A_129 = tpu.memref_slice %arg2[%dma_wait3A_127, %dma_wait3A_128] : memref<10000x128xf32, #tpu.memory_space<hbm>> -> memref<10000x128xf32, #tpu.memory_space<hbm>>
    tpu.wait_indirect_dma semaphore(%arg21 : memref<!tpu.dma_semaphore, #tpu.memory_space<semaphore_mem>>) src(%dma_wait3A_129 : memref<10000x128xf32, #tpu.memory_space<hbm>>) dst(%arg18 : memref<128x128xf32, #tpu.memory_space<vmem>>)
    %dma_start3A_130 = arith.constant 1 : i32
    %dma_start3A_131 = arith.constant 0 : i32
    %dma_start3A_132 = tpu.memref_slice %arg6[%dma_start3A_130, %dma_start3A_131] : memref<2x128xi32, #tpu.memory_space<vmem>> -> memref<1x128xi32, #tpu.memory_space<vmem>>
    %dma_start3A_133 = tpu.memref_squeeze %dma_start3A_132 : memref<1x128xi32, #tpu.memory_space<vmem>> -> memref<128xi32, #tpu.memory_space<vmem>>
    %dma_start3A_134 = arith.constant 0 : i32
    %dma_start3A_135 = arith.constant 0 : i32
    %dma_start3A_136 = tpu.memref_slice %arg26[%dma_start3A_134, %dma_start3A_135] : memref<10000x128xf32, #tpu.memory_space<vmem_shared>> -> memref<10000x128xf32, #tpu.memory_space<vmem_shared>>
    tpu.enqueue_indirect_dma source(%arg18 : memref<128x128xf32, #tpu.memory_space<vmem>>) target(%dma_start3A_136 : memref<10000x128xf32, #tpu.memory_space<vmem_shared>>) offsets(%dma_start3A_133 : memref<128xi32, #tpu.memory_space<vmem>>) semaphore(%arg24 : memref<!tpu.dma_semaphore, #tpu.memory_space<semaphore_mem>>) {add = true}
    %add3A_137 = arith.constant 76 : i32
    %add3A_138 = arith.addi %mul3A_2, %add3A_137 : i32
    %mul3A_139 = arith.constant 128 : i32
    %mul3A_140 = arith.muli %add3A_138, %mul3A_139 : i32
    %multiple_of3A_141 = tpu.assume_multiple %mul3A_140, 128 : i32
    %dma_start3A_142 = arith.constant 0 : i32
    %dma_start3A_143 = tpu.memref_slice %arg3[%dma_start3A_142, %multiple_of3A_141] : memref<2x320000xi32, #tpu.memory_space<hbm>> -> memref<2x128xi32, #tpu.memory_space<hbm>>
    %dma_start3A_144 = arith.constant 0 : i32
    %dma_start3A_145 = tpu.memref_slice %arg3[%dma_start3A_144, %multiple_of3A_141] : memref<2x320000xi32, #tpu.memory_space<hbm>> -> memref<2x128xi32, #tpu.memory_space<hbm>>
    tpu.enqueue_dma source(%dma_start3A_145 : memref<2x128xi32, #tpu.memory_space<hbm>>) target(%arg9 : memref<2x128xi32, #tpu.memory_space<vmem>>) target_semaphore(%arg15 : memref<!tpu.dma_semaphore, #tpu.memory_space<semaphore_mem>>)
    %dma_wait3A_146 = arith.constant 0 : i32
    %dma_wait3A_147 = arith.constant 0 : i32
    %dma_wait3A_148 = tpu.memref_slice %arg7[%dma_wait3A_146, %dma_wait3A_147] : memref<2x128xi32, #tpu.memory_space<vmem>> -> memref<1x128xi32, #tpu.memory_space<vmem>>
    %dma_wait3A_149 = tpu.memref_squeeze %dma_wait3A_148 : memref<1x128xi32, #tpu.memory_space<vmem>> -> memref<128xi32, #tpu.memory_space<vmem>>
    %dma_wait3A_150 = arith.constant 0 : i32
    %dma_wait3A_151 = arith.constant 0 : i32
    %dma_wait3A_152 = tpu.memref_slice %arg2[%dma_wait3A_150, %dma_wait3A_151] : memref<10000x128xf32, #tpu.memory_space<hbm>> -> memref<10000x128xf32, #tpu.memory_space<hbm>>
    tpu.wait_indirect_dma semaphore(%arg22 : memref<!tpu.dma_semaphore, #tpu.memory_space<semaphore_mem>>) src(%dma_wait3A_152 : memref<10000x128xf32, #tpu.memory_space<hbm>>) dst(%arg19 : memref<128x128xf32, #tpu.memory_space<vmem>>)
    %dma_start3A_153 = arith.constant 1 : i32
    %dma_start3A_154 = arith.constant 0 : i32
    %dma_start3A_155 = tpu.memref_slice %arg7[%dma_start3A_153, %dma_start3A_154] : memref<2x128xi32, #tpu.memory_space<vmem>> -> memref<1x128xi32, #tpu.memory_space<vmem>>
    %dma_start3A_156 = tpu.memref_squeeze %dma_start3A_155 : memref<1x128xi32, #tpu.memory_space<vmem>> -> memref<128xi32, #tpu.memory_space<vmem>>
    %dma_start3A_157 = arith.constant 0 : i32
    %dma_start3A_158 = arith.constant 0 : i32
    %dma_start3A_159 = tpu.memref_slice %arg26[%dma_start3A_157, %dma_start3A_158] : memref<10000x128xf32, #tpu.memory_space<vmem_shared>> -> memref<10000x128xf32, #tpu.memory_space<vmem_shared>>
    tpu.enqueue_indirect_dma source(%arg19 : memref<128x128xf32, #tpu.memory_space<vmem>>) target(%dma_start3A_159 : memref<10000x128xf32, #tpu.memory_space<vmem_shared>>) offsets(%dma_start3A_156 : memref<128xi32, #tpu.memory_space<vmem>>) semaphore(%arg25 : memref<!tpu.dma_semaphore, #tpu.memory_space<semaphore_mem>>) {add = true}
    %add3A_160 = arith.constant 77 : i32
    %add3A_161 = arith.addi %mul3A_2, %add3A_160 : i32
    %mul3A_162 = arith.constant 128 : i32
    %mul3A_163 = arith.muli %add3A_161, %mul3A_162 : i32
    %multiple_of3A_164 = tpu.assume_multiple %mul3A_163, 128 : i32
    %dma_start3A_165 = arith.constant 0 : i32
    %dma_start3A_166 = tpu.memref_slice %arg3[%dma_start3A_165, %multiple_of3A_164] : memref<2x320000xi32, #tpu.memory_space<hbm>> -> memref<2x128xi32, #tpu.memory_space<hbm>>
    %dma_start3A_167 = arith.constant 0 : i32
    %dma_start3A_168 = tpu.memref_slice %arg3[%dma_start3A_167, %multiple_of3A_164] : memref<2x320000xi32, #tpu.memory_space<hbm>> -> memref<2x128xi32, #tpu.memory_space<hbm>>
    tpu.enqueue_dma source(%dma_start3A_168 : memref<2x128xi32, #tpu.memory_space<hbm>>) target(%arg10 : memref<2x128xi32, #tpu.memory_space<vmem>>) target_semaphore(%arg16 : memref<!tpu.dma_semaphore, #tpu.memory_space<semaphore_mem>>)
    %dma_wait3A_169 = arith.constant 1 : i32
    %dma_wait3A_170 = arith.constant 0 : i32
    %dma_wait3A_171 = tpu.memref_slice %arg5[%dma_wait3A_169, %dma_wait3A_170] : memref<2x128xi32, #tpu.memory_space<vmem>> -> memref<1x128xi32, #tpu.memory_space<vmem>>
    %dma_wait3A_172 = tpu.memref_squeeze %dma_wait3A_171 : memref<1x128xi32, #tpu.memory_space<vmem>> -> memref<128xi32, #tpu.memory_space<vmem>>
    %dma_wait3A_173 = arith.constant 0 : i32
    %dma_wait3A_174 = arith.constant 0 : i32
    %dma_wait3A_175 = tpu.memref_slice %arg26[%dma_wait3A_173, %dma_wait3A_174] : memref<10000x128xf32, #tpu.memory_space<vmem_shared>> -> memref<10000x128xf32, #tpu.memory_space<vmem_shared>>
    tpu.wait_indirect_dma semaphore(%arg23 : memref<!tpu.dma_semaphore, #tpu.memory_space<semaphore_mem>>) src(%arg17 : memref<128x128xf32, #tpu.memory_space<vmem>>) dst(%dma_wait3A_175 : memref<10000x128xf32, #tpu.memory_space<vmem_shared>>)
    %add3A_176 = arith.constant 75 : i32
    %add3A_177 = arith.addi %mul3A_2, %add3A_176 : i32
    %mul3A_178 = arith.constant 128 : i32
    %mul3A_179 = arith.muli %add3A_177, %mul3A_178 : i32
    %multiple_of3A_180 = tpu.assume_multiple %mul3A_179, 128 : i32
    %dma_wait3A_181 = arith.constant 0 : i32
    %dma_wait3A_182 = tpu.memref_slice %arg3[%dma_wait3A_181, %multiple_of3A_180] : memref<2x320000xi32, #tpu.memory_space<hbm>> -> memref<2x128xi32, #tpu.memory_space<hbm>>
    %dma_wait3A_183 = arith.constant 0 : i32
    %dma_wait3A_184 = tpu.memref_slice %arg3[%dma_wait3A_183, %multiple_of3A_180] : memref<2x320000xi32, #tpu.memory_space<hbm>> -> memref<2x128xi32, #tpu.memory_space<hbm>>
    tpu.wait_dma2 semaphore(%arg14 : memref<!tpu.dma_semaphore, #tpu.memory_space<semaphore_mem>>) src(%dma_wait3A_184 : memref<2x128xi32, #tpu.memory_space<hbm>>) dst(%arg8 : memref<2x128xi32, #tpu.memory_space<vmem>>)
    %dma_start3A_185 = arith.constant 0 : i32
    %dma_start3A_186 = arith.constant 0 : i32
    %dma_start3A_187 = tpu.memref_slice %arg8[%dma_start3A_185, %dma_start3A_186] : memref<2x128xi32, #tpu.memory_space<vmem>> -> memref<1x128xi32, #tpu.memory_space<vmem>>
    %dma_start3A_188 = tpu.memref_squeeze %dma_start3A_187 : memref<1x128xi32, #tpu.memory_space<vmem>> -> memref<128xi32, #tpu.memory_space<vmem>>
    %dma_start3A_189 = arith.constant 0 : i32
    %dma_start3A_190 = arith.constant 0 : i32
    %dma_start3A_191 = tpu.memref_slice %arg2[%dma_start3A_189, %dma_start3A_190] : memref<10000x128xf32, #tpu.memory_space<hbm>> -> memref<10000x128xf32, #tpu.memory_space<hbm>>
    tpu.enqueue_indirect_dma source(%dma_start3A_191 : memref<10000x128xf32, #tpu.memory_space<hbm>>) target(%arg17 : memref<128x128xf32, #tpu.memory_space<vmem>>) offsets(%dma_start3A_188 : memref<128xi32, #tpu.memory_space<vmem>>) semaphore(%arg20 : memref<!tpu.dma_semaphore, #tpu.memory_space<semaphore_mem>>)
    %dma_wait3A_192 = arith.constant 1 : i32
    %dma_wait3A_193 = arith.constant 0 : i32
    %dma_wait3A_194 = tpu.memref_slice %arg6[%dma_wait3A_192, %dma_wait3A_193] : memref<2x128xi32, #tpu.memory_space<vmem>> -> memref<1x128xi32, #tpu.memory_space<vmem>>
    %dma_wait3A_195 = tpu.memref_squeeze %dma_wait3A_194 : memref<1x128xi32, #tpu.memory_space<vmem>> -> memref<128xi32, #tpu.memory_space<vmem>>
    %dma_wait3A_196 = arith.constant 0 : i32
    %dma_wait3A_197 = arith.constant 0 : i32
    %dma_wait3A_198 = tpu.memref_slice %arg26[%dma_wait3A_196, %dma_wait3A_197] : memref<10000x128xf32, #tpu.memory_space<vmem_shared>> -> memref<10000x128xf32, #tpu.memory_space<vmem_shared>>
    tpu.wait_indirect_dma semaphore(%arg24 : memref<!tpu.dma_semaphore, #tpu.memory_space<semaphore_mem>>) src(%arg18 : memref<128x128xf32, #tpu.memory_space<vmem>>) dst(%dma_wait3A_198 : memref<10000x128xf32, #tpu.memory_space<vmem_shared>>)
    %add3A_199 = arith.constant 76 : i32
    %add3A_200 = arith.addi %mul3A_2, %add3A_199 : i32
    %mul3A_201 = arith.constant 128 : i32
    %mul3A_202 = arith.muli %add3A_200, %mul3A_201 : i32
    %multiple_of3A_203 = tpu.assume_multiple %mul3A_202, 128 : i32
    %dma_wait3A_204 = arith.constant 0 : i32
    %dma_wait3A_205 = tpu.memref_slice %arg3[%dma_wait3A_204, %multiple_of3A_203] : memref<2x320000xi32, #tpu.memory_space<hbm>> -> memref<2x128xi32, #tpu.memory_space<hbm>>
    %dma_wait3A_206 = arith.constant 0 : i32
    %dma_wait3A_207 = tpu.memref_slice %arg3[%dma_wait3A_206, %multiple_of3A_203] : memref<2x320000xi32, #tpu.memory_space<hbm>> -> memref<2x128xi32, #tpu.memory_space<hbm>>
    tpu.wait_dma2 semaphore(%arg15 : memref<!tpu.dma_semaphore, #tpu.memory_space<semaphore_mem>>) src(%dma_wait3A_207 : memref<2x128xi32, #tpu.memory_space<hbm>>) dst(%arg9 : memref<2x128xi32, #tpu.memory_space<vmem>>)
    %dma_start3A_208 = arith.constant 0 : i32
    %dma_start3A_209 = arith.constant 0 : i32
    %dma_start3A_210 = tpu.memref_slice %arg9[%dma_start3A_208, %dma_start3A_209] : memref<2x128xi32, #tpu.memory_space<vmem>> -> memref<1x128xi32, #tpu.memory_space<vmem>>
    %dma_start3A_211 = tpu.memref_squeeze %dma_start3A_210 : memref<1x128xi32, #tpu.memory_space<vmem>> -> memref<128xi32, #tpu.memory_space<vmem>>
    %dma_start3A_212 = arith.constant 0 : i32
    %dma_start3A_213 = arith.constant 0 : i32
    %dma_start3A_214 = tpu.memref_slice %arg2[%dma_start3A_212, %dma_start3A_213] : memref<10000x128xf32, #tpu.memory_space<hbm>> -> memref<10000x128xf32, #tpu.memory_space<hbm>>
    tpu.enqueue_indirect_dma source(%dma_start3A_214 : memref<10000x128xf32, #tpu.memory_space<hbm>>) target(%arg18 : memref<128x128xf32, #tpu.memory_space<vmem>>) offsets(%dma_start3A_211 : memref<128xi32, #tpu.memory_space<vmem>>) semaphore(%arg21 : memref<!tpu.dma_semaphore, #tpu.memory_space<semaphore_mem>>)
    %dma_wait3A_215 = arith.constant 1 : i32
    %dma_wait3A_216 = arith.constant 0 : i32
    %dma_wait3A_217 = tpu.memref_slice %arg7[%dma_wait3A_215, %dma_wait3A_216] : memref<2x128xi32, #tpu.memory_space<vmem>> -> memref<1x128xi32, #tpu.memory_space<vmem>>
    %dma_wait3A_218 = tpu.memref_squeeze %dma_wait3A_217 : memref<1x128xi32, #tpu.memory_space<vmem>> -> memref<128xi32, #tpu.memory_space<vmem>>
    %dma_wait3A_219 = arith.constant 0 : i32
    %dma_wait3A_220 = arith.constant 0 : i32
    %dma_wait3A_221 = tpu.memref_slice %arg26[%dma_wait3A_219, %dma_wait3A_220] : memref<10000x128xf32, #tpu.memory_space<vmem_shared>> -> memref<10000x128xf32, #tpu.memory_space<vmem_shared>>
    tpu.wait_indirect_dma semaphore(%arg25 : memref<!tpu.dma_semaphore, #tpu.memory_space<semaphore_mem>>) src(%arg19 : memref<128x128xf32, #tpu.memory_space<vmem>>) dst(%dma_wait3A_221 : memref<10000x128xf32, #tpu.memory_space<vmem_shared>>)
    %add3A_222 = arith.constant 77 : i32
    %add3A_223 = arith.addi %mul3A_2, %add3A_222 : i32
    %mul3A_224 = arith.constant 128 : i32
    %mul3A_225 = arith.muli %add3A_223, %mul3A_224 : i32
    %multiple_of3A_226 = tpu.assume_multiple %mul3A_225, 128 : i32
    %dma_wait3A_227 = arith.constant 0 : i32
    %dma_wait3A_228 = tpu.memref_slice %arg3[%dma_wait3A_227, %multiple_of3A_226] : memref<2x320000xi32, #tpu.memory_space<hbm>> -> memref<2x128xi32, #tpu.memory_space<hbm>>
    %dma_wait3A_229 = arith.constant 0 : i32
    %dma_wait3A_230 = tpu.memref_slice %arg3[%dma_wait3A_229, %multiple_of3A_226] : memref<2x320000xi32, #tpu.memory_space<hbm>> -> memref<2x128xi32, #tpu.memory_space<hbm>>
    tpu.wait_dma2 semaphore(%arg16 : memref<!tpu.dma_semaphore, #tpu.memory_space<semaphore_mem>>) src(%dma_wait3A_230 : memref<2x128xi32, #tpu.memory_space<hbm>>) dst(%arg10 : memref<2x128xi32, #tpu.memory_space<vmem>>)
    %dma_start3A_231 = arith.constant 0 : i32
    %dma_start3A_232 = arith.constant 0 : i32
    %dma_start3A_233 = tpu.memref_slice %arg10[%dma_start3A_231, %dma_start3A_232] : memref<2x128xi32, #tpu.memory_space<vmem>> -> memref<1x128xi32, #tpu.memory_space<vmem>>
    %dma_start3A_234 = tpu.memref_squeeze %dma_start3A_233 : memref<1x128xi32, #tpu.memory_space<vmem>> -> memref<128xi32, #tpu.memory_space<vmem>>
    %dma_start3A_235 = arith.constant 0 : i32
    %dma_start3A_236 = arith.constant 0 : i32
    %dma_start3A_237 = tpu.memref_slice %arg2[%dma_start3A_235, %dma_start3A_236] : memref<10000x128xf32, #tpu.memory_space<hbm>> -> memref<10000x128xf32, #tpu.memory_space<hbm>>
    tpu.enqueue_indirect_dma source(%dma_start3A_237 : memref<10000x128xf32, #tpu.memory_space<hbm>>) target(%arg19 : memref<128x128xf32, #tpu.memory_space<vmem>>) offsets(%dma_start3A_234 : memref<128xi32, #tpu.memory_space<vmem>>) semaphore(%arg22 : memref<!tpu.dma_semaphore, #tpu.memory_space<semaphore_mem>>)
    %dma_wait3A_238 = arith.constant 0 : i32
    %dma_wait3A_239 = arith.constant 0 : i32
    %dma_wait3A_240 = tpu.memref_slice %arg8[%dma_wait3A_238, %dma_wait3A_239] : memref<2x128xi32, #tpu.memory_space<vmem>> -> memref<1x128xi32, #tpu.memory_space<vmem>>
    %dma_wait3A_241 = tpu.memref_squeeze %dma_wait3A_240 : memref<1x128xi32, #tpu.memory_space<vmem>> -> memref<128xi32, #tpu.memory_space<vmem>>
    %dma_wait3A_242 = arith.constant 0 : i32
    %dma_wait3A_243 = arith.constant 0 : i32
    %dma_wait3A_244 = tpu.memref_slice %arg2[%dma_wait3A_242, %dma_wait3A_243] : memref<10000x128xf32, #tpu.memory_space<hbm>> -> memref<10000x128xf32, #tpu.memory_space<hbm>>
    tpu.wait_indirect_dma semaphore(%arg20 : memref<!tpu.dma_semaphore, #tpu.memory_space<semaphore_mem>>) src(%dma_wait3A_244 : memref<10000x128xf32, #tpu.memory_space<hbm>>) dst(%arg17 : memref<128x128xf32, #tpu.memory_space<vmem>>)
    %dma_start3A_245 = arith.constant 1 : i32
    %dma_start3A_246 = arith.constant 0 : i32
    %dma_start3A_247 = tpu.memref_slice %arg8[%dma_start3A_245, %dma_start3A_246] : memref<2x128xi32, #tpu.memory_space<vmem>> -> memref<1x128xi32, #tpu.memory_space<vmem>>
    %dma_start3A_248 = tpu.memref_squeeze %dma_start3A_247 : memref<1x128xi32, #tpu.memory_space<vmem>> -> memref<128xi32, #tpu.memory_space<vmem>>
    %dma_start3A_249 = arith.constant 0 : i32
    %dma_start3A_250 = arith.constant 0 : i32
    %dma_start3A_251 = tpu.memref_slice %arg26[%dma_start3A_249, %dma_start3A_250] : memref<10000x128xf32, #tpu.memory_space<vmem_shared>> -> memref<10000x128xf32, #tpu.memory_space<vmem_shared>>
    tpu.enqueue_indirect_dma source(%arg17 : memref<128x128xf32, #tpu.memory_space<vmem>>) target(%dma_start3A_251 : memref<10000x128xf32, #tpu.memory_space<vmem_shared>>) offsets(%dma_start3A_248 : memref<128xi32, #tpu.memory_space<vmem>>) semaphore(%arg23 : memref<!tpu.dma_semaphore, #tpu.memory_space<semaphore_mem>>) {add = true}
    %dma_wait3A_252 = arith.constant 0 : i32
    %dma_wait3A_253 = arith.constant 0 : i32
    %dma_wait3A_254 = tpu.memref_slice %arg9[%dma_wait3A_252, %dma_wait3A_253] : memref<2x128xi32, #tpu.memory_space<vmem>> -> memref<1x128xi32, #tpu.memory_space<vmem>>
    %dma_wait3A_255 = tpu.memref_squeeze %dma_wait3A_254 : memref<1x128xi32, #tpu.memory_space<vmem>> -> memref<128xi32, #tpu.memory_space<vmem>>
    %dma_wait3A_256 = arith.constant 0 : i32
    %dma_wait3A_257 = arith.constant 0 : i32
    %dma_wait3A_258 = tpu.memref_slice %arg2[%dma_wait3A_256, %dma_wait3A_257] : memref<10000x128xf32, #tpu.memory_space<hbm>> -> memref<10000x128xf32, #tpu.memory_space<hbm>>
    tpu.wait_indirect_dma semaphore(%arg21 : memref<!tpu.dma_semaphore, #tpu.memory_space<semaphore_mem>>) src(%dma_wait3A_258 : memref<10000x128xf32, #tpu.memory_space<hbm>>) dst(%arg18 : memref<128x128xf32, #tpu.memory_space<vmem>>)
    %dma_start3A_259 = arith.constant 1 : i32
    %dma_start3A_260 = arith.constant 0 : i32
    %dma_start3A_261 = tpu.memref_slice %arg9[%dma_start3A_259, %dma_start3A_260] : memref<2x128xi32, #tpu.memory_space<vmem>> -> memref<1x128xi32, #tpu.memory_space<vmem>>
    %dma_start3A_262 = tpu.memref_squeeze %dma_start3A_261 : memref<1x128xi32, #tpu.memory_space<vmem>> -> memref<128xi32, #tpu.memory_space<vmem>>
    %dma_start3A_263 = arith.constant 0 : i32
    %dma_start3A_264 = arith.constant 0 : i32
    %dma_start3A_265 = tpu.memref_slice %arg26[%dma_start3A_263, %dma_start3A_264] : memref<10000x128xf32, #tpu.memory_space<vmem_shared>> -> memref<10000x128xf32, #tpu.memory_space<vmem_shared>>
    tpu.enqueue_indirect_dma source(%arg18 : memref<128x128xf32, #tpu.memory_space<vmem>>) target(%dma_start3A_265 : memref<10000x128xf32, #tpu.memory_space<vmem_shared>>) offsets(%dma_start3A_262 : memref<128xi32, #tpu.memory_space<vmem>>) semaphore(%arg24 : memref<!tpu.dma_semaphore, #tpu.memory_space<semaphore_mem>>) {add = true}
    %dma_wait3A_266 = arith.constant 0 : i32
    %dma_wait3A_267 = arith.constant 0 : i32
    %dma_wait3A_268 = tpu.memref_slice %arg10[%dma_wait3A_266, %dma_wait3A_267] : memref<2x128xi32, #tpu.memory_space<vmem>> -> memref<1x128xi32, #tpu.memory_space<vmem>>
    %dma_wait3A_269 = tpu.memref_squeeze %dma_wait3A_268 : memref<1x128xi32, #tpu.memory_space<vmem>> -> memref<128xi32, #tpu.memory_space<vmem>>
    %dma_wait3A_270 = arith.constant 0 : i32
    %dma_wait3A_271 = arith.constant 0 : i32
    %dma_wait3A_272 = tpu.memref_slice %arg2[%dma_wait3A_270, %dma_wait3A_271] : memref<10000x128xf32, #tpu.memory_space<hbm>> -> memref<10000x128xf32, #tpu.memory_space<hbm>>
    tpu.wait_indirect_dma semaphore(%arg22 : memref<!tpu.dma_semaphore, #tpu.memory_space<semaphore_mem>>) src(%dma_wait3A_272 : memref<10000x128xf32, #tpu.memory_space<hbm>>) dst(%arg19 : memref<128x128xf32, #tpu.memory_space<vmem>>)
    %dma_start3A_273 = arith.constant 1 : i32
    %dma_start3A_274 = arith.constant 0 : i32
    %dma_start3A_275 = tpu.memref_slice %arg10[%dma_start3A_273, %dma_start3A_274] : memref<2x128xi32, #tpu.memory_space<vmem>> -> memref<1x128xi32, #tpu.memory_space<vmem>>
    %dma_start3A_276 = tpu.memref_squeeze %dma_start3A_275 : memref<1x128xi32, #tpu.memory_space<vmem>> -> memref<128xi32, #tpu.memory_space<vmem>>
    %dma_start3A_277 = arith.constant 0 : i32
    %dma_start3A_278 = arith.constant 0 : i32
    %dma_start3A_279 = tpu.memref_slice %arg26[%dma_start3A_277, %dma_start3A_278] : memref<10000x128xf32, #tpu.memory_space<vmem_shared>> -> memref<10000x128xf32, #tpu.memory_space<vmem_shared>>
    tpu.enqueue_indirect_dma source(%arg19 : memref<128x128xf32, #tpu.memory_space<vmem>>) target(%dma_start3A_279 : memref<10000x128xf32, #tpu.memory_space<vmem_shared>>) offsets(%dma_start3A_276 : memref<128xi32, #tpu.memory_space<vmem>>) semaphore(%arg25 : memref<!tpu.dma_semaphore, #tpu.memory_space<semaphore_mem>>) {add = true}
    %dma_wait3A_280 = arith.constant 1 : i32
    %dma_wait3A_281 = arith.constant 0 : i32
    %dma_wait3A_282 = tpu.memref_slice %arg8[%dma_wait3A_280, %dma_wait3A_281] : memref<2x128xi32, #tpu.memory_space<vmem>> -> memref<1x128xi32, #tpu.memory_space<vmem>>
    %dma_wait3A_283 = tpu.memref_squeeze %dma_wait3A_282 : memref<1x128xi32, #tpu.memory_space<vmem>> -> memref<128xi32, #tpu.memory_space<vmem>>
    %dma_wait3A_284 = arith.constant 0 : i32
    %dma_wait3A_285 = arith.constant 0 : i32
    %dma_wait3A_286 = tpu.memref_slice %arg26[%dma_wait3A_284, %dma_wait3A_285] : memref<10000x128xf32, #tpu.memory_space<vmem_shared>> -> memref<10000x128xf32, #tpu.memory_space<vmem_shared>>
    tpu.wait_indirect_dma semaphore(%arg23 : memref<!tpu.dma_semaphore, #tpu.memory_space<semaphore_mem>>) src(%arg17 : memref<128x128xf32, #tpu.memory_space<vmem>>) dst(%dma_wait3A_286 : memref<10000x128xf32, #tpu.memory_space<vmem_shared>>)
    %dma_wait3A_287 = arith.constant 1 : i32
    %dma_wait3A_288 = arith.constant 0 : i32
    %dma_wait3A_289 = tpu.memref_slice %arg9[%dma_wait3A_287, %dma_wait3A_288] : memref<2x128xi32, #tpu.memory_space<vmem>> -> memref<1x128xi32, #tpu.memory_space<vmem>>
    %dma_wait3A_290 = tpu.memref_squeeze %dma_wait3A_289 : memref<1x128xi32, #tpu.memory_space<vmem>> -> memref<128xi32, #tpu.memory_space<vmem>>
    %dma_wait3A_291 = arith.constant 0 : i32
    %dma_wait3A_292 = arith.constant 0 : i32
    %dma_wait3A_293 = tpu.memref_slice %arg26[%dma_wait3A_291, %dma_wait3A_292] : memref<10000x128xf32, #tpu.memory_space<vmem_shared>> -> memref<10000x128xf32, #tpu.memory_space<vmem_shared>>
    tpu.wait_indirect_dma semaphore(%arg24 : memref<!tpu.dma_semaphore, #tpu.memory_space<semaphore_mem>>) src(%arg18 : memref<128x128xf32, #tpu.memory_space<vmem>>) dst(%dma_wait3A_293 : memref<10000x128xf32, #tpu.memory_space<vmem_shared>>)
    %dma_wait3A_294 = arith.constant 1 : i32
    %dma_wait3A_295 = arith.constant 0 : i32
    %dma_wait3A_296 = tpu.memref_slice %arg10[%dma_wait3A_294, %dma_wait3A_295] : memref<2x128xi32, #tpu.memory_space<vmem>> -> memref<1x128xi32, #tpu.memory_space<vmem>>
    %dma_wait3A_297 = tpu.memref_squeeze %dma_wait3A_296 : memref<1x128xi32, #tpu.memory_space<vmem>> -> memref<128xi32, #tpu.memory_space<vmem>>
    %dma_wait3A_298 = arith.constant 0 : i32
    %dma_wait3A_299 = arith.constant 0 : i32
    %dma_wait3A_300 = tpu.memref_slice %arg26[%dma_wait3A_298, %dma_wait3A_299] : memref<10000x128xf32, #tpu.memory_space<vmem_shared>> -> memref<10000x128xf32, #tpu.memory_space<vmem_shared>>
    tpu.wait_indirect_dma semaphore(%arg25 : memref<!tpu.dma_semaphore, #tpu.memory_space<semaphore_mem>>) src(%arg19 : memref<128x128xf32, #tpu.memory_space<vmem>>) dst(%dma_wait3A_300 : memref<10000x128xf32, #tpu.memory_space<vmem_shared>>)
    %lt3A = arith.constant 2 : i32
    %lt3A_301 = arith.cmpi slt, %arg1, %lt3A : i32
    %convert_element_type3A_302 = arith.extui %lt3A_301 : i1 to i32
    %cond3A_303 = arith.constant 0 : i32
    %cond3A_304 = arith.cmpi ne, %convert_element_type3A_302, %cond3A_303 : i32
    scf.if %cond3A_304 {
      %mul3A_311 = arith.constant 2 : i32
      %mul3A_312 = arith.muli %arg0, %mul3A_311 : i32
      %add3A_313 = arith.addi %mul3A_312, %arg1 : i32
      %mul3A_314 = arith.constant 128 : i32
      %mul3A_315 = arith.muli %add3A_313, %mul3A_314 : i32
      %add3A_316 = arith.constant 319488 : i32
      %add3A_317 = arith.addi %add3A_316, %mul3A_315 : i32
      %multiple_of3A_318 = tpu.assume_multiple %add3A_317, 128 : i32
      "tpu.region"() ({
        %run_scoped3A_333 = tpu.sem_alloc : memref<!tpu.dma_semaphore, #tpu.memory_space<semaphore_mem>>
        %dma_start3A_334 = arith.constant 0 : i32
        %dma_start3A_335 = tpu.memref_slice %arg3[%dma_start3A_334, %multiple_of3A_318] : memref<2x320000xi32, #tpu.memory_space<hbm>> -> memref<2x128xi32, #tpu.memory_space<hbm>>
        %dma_start3A_336 = arith.constant 0 : i32
        %dma_start3A_337 = tpu.memref_slice %arg3[%dma_start3A_336, %multiple_of3A_318] : memref<2x320000xi32, #tpu.memory_space<hbm>> -> memref<2x128xi32, #tpu.memory_space<hbm>>
        tpu.enqueue_dma source(%dma_start3A_337 : memref<2x128xi32, #tpu.memory_space<hbm>>) target(%arg5 : memref<2x128xi32, #tpu.memory_space<vmem>>) target_semaphore(%run_scoped3A_333 : memref<!tpu.dma_semaphore, #tpu.memory_space<semaphore_mem>>)
        %dma_wait3A_338 = arith.constant 0 : i32
        %dma_wait3A_339 = tpu.memref_slice %arg3[%dma_wait3A_338, %multiple_of3A_318] : memref<2x320000xi32, #tpu.memory_space<hbm>> -> memref<2x128xi32, #tpu.memory_space<hbm>>
        %dma_wait3A_340 = arith.constant 0 : i32
        %dma_wait3A_341 = tpu.memref_slice %arg3[%dma_wait3A_340, %multiple_of3A_318] : memref<2x320000xi32, #tpu.memory_space<hbm>> -> memref<2x128xi32, #tpu.memory_space<hbm>>
        tpu.wait_dma2 semaphore(%run_scoped3A_333 : memref<!tpu.dma_semaphore, #tpu.memory_space<semaphore_mem>>) src(%dma_wait3A_341 : memref<2x128xi32, #tpu.memory_space<hbm>>) dst(%arg5 : memref<2x128xi32, #tpu.memory_space<vmem>>)
        tpu.yield
      }) : () -> ()
      %dma_start3A_319 = arith.constant 0 : i32
      %dma_start3A_320 = arith.constant 0 : i32
      %dma_start3A_321 = tpu.memref_slice %arg5[%dma_start3A_319, %dma_start3A_320] : memref<2x128xi32, #tpu.memory_space<vmem>> -> memref<1x128xi32, #tpu.memory_space<vmem>>
      %dma_start3A_322 = tpu.memref_squeeze %dma_start3A_321 : memref<1x128xi32, #tpu.memory_space<vmem>> -> memref<128xi32, #tpu.memory_space<vmem>>
      %dma_start3A_323 = arith.constant 0 : i32
      %dma_start3A_324 = arith.constant 0 : i32
      %dma_start3A_325 = tpu.memref_slice %arg2[%dma_start3A_323, %dma_start3A_324] : memref<10000x128xf32, #tpu.memory_space<hbm>> -> memref<10000x128xf32, #tpu.memory_space<hbm>>
      tpu.enqueue_indirect_dma source(%dma_start3A_325 : memref<10000x128xf32, #tpu.memory_space<hbm>>) target(%arg17 : memref<128x128xf32, #tpu.memory_space<vmem>>) offsets(%dma_start3A_322 : memref<128xi32, #tpu.memory_space<vmem>>) semaphore(%arg20 : memref<!tpu.dma_semaphore, #tpu.memory_space<semaphore_mem>>)
      %dma_wait3A_326 = arith.constant 0 : i32
      %dma_wait3A_327 = arith.constant 0 : i32
      %dma_wait3A_328 = tpu.memref_slice %arg5[%dma_wait3A_326, %dma_wait3A_327] : memref<2x128xi32, #tpu.memory_space<vmem>> -> memref<1x128xi32, #tpu.memory_space<vmem>>
      %dma_wait3A_329 = tpu.memref_squeeze %dma_wait3A_328 : memref<1x128xi32, #tpu.memory_space<vmem>> -> memref<128xi32, #tpu.memory_space<vmem>>
      %dma_wait3A_330 = arith.constant 0 : i32
      %dma_wait3A_331 = arith.constant 0 : i32
      %dma_wait3A_332 = tpu.memref_slice %arg2[%dma_wait3A_330, %dma_wait3A_331] : memref<10000x128xf32, #tpu.memory_space<hbm>> -> memref<10000x128xf32, #tpu.memory_space<hbm>>
      tpu.wait_indirect_dma semaphore(%arg20 : memref<!tpu.dma_semaphore, #tpu.memory_space<semaphore_mem>>) src(%dma_wait3A_332 : memref<10000x128xf32, #tpu.memory_space<hbm>>) dst(%arg17 : memref<128x128xf32, #tpu.memory_space<vmem>>)
      %run_scoped3A = arith.constant 1 : i32
      "tpu.region"() ({
        %run_scoped3A_333 = tpu.sem_alloc : memref<!tpu.dma_semaphore, #tpu.memory_space<semaphore_mem>>
        %dma_start3A_334 = arith.constant 0 : i32
        %dma_start3A_335 = tpu.memref_slice %arg5[%run_scoped3A, %dma_start3A_334] : memref<2x128xi32, #tpu.memory_space<vmem>> -> memref<1x128xi32, #tpu.memory_space<vmem>>
        %dma_start3A_336 = tpu.memref_squeeze %dma_start3A_335 : memref<1x128xi32, #tpu.memory_space<vmem>> -> memref<128xi32, #tpu.memory_space<vmem>>
        %dma_start3A_337 = arith.constant 0 : i32
        %dma_start3A_338 = arith.constant 0 : i32
        %dma_start3A_339 = tpu.memref_slice %arg26[%dma_start3A_337, %dma_start3A_338] : memref<10000x128xf32, #tpu.memory_space<vmem_shared>> -> memref<10000x128xf32, #tpu.memory_space<vmem_shared>>
        tpu.enqueue_indirect_dma source(%arg17 : memref<128x128xf32, #tpu.memory_space<vmem>>) target(%dma_start3A_339 : memref<10000x128xf32, #tpu.memory_space<vmem_shared>>) offsets(%dma_start3A_336 : memref<128xi32, #tpu.memory_space<vmem>>) semaphore(%run_scoped3A_333 : memref<!tpu.dma_semaphore, #tpu.memory_space<semaphore_mem>>) {add = true}
        %dma_wait3A_340 = arith.constant 0 : i32
        %dma_wait3A_341 = tpu.memref_slice %arg5[%run_scoped3A, %dma_wait3A_340] : memref<2x128xi32, #tpu.memory_space<vmem>> -> memref<1x128xi32, #tpu.memory_space<vmem>>
        %dma_wait3A_342 = tpu.memref_squeeze %dma_wait3A_341 : memref<1x128xi32, #tpu.memory_space<vmem>> -> memref<128xi32, #tpu.memory_space<vmem>>
        %dma_wait3A_343 = arith.constant 0 : i32
        %dma_wait3A_344 = arith.constant 0 : i32
        %dma_wait3A_345 = tpu.memref_slice %arg26[%dma_wait3A_343, %dma_wait3A_344] : memref<10000x128xf32, #tpu.memory_space<vmem_shared>> -> memref<10000x128xf32, #tpu.memory_space<vmem_shared>>
        tpu.wait_indirect_dma semaphore(%run_scoped3A_333 : memref<!tpu.dma_semaphore, #tpu.memory_space<semaphore_mem>>) src(%arg17 : memref<128x128xf32, #tpu.memory_space<vmem>>) dst(%dma_wait3A_345 : memref<10000x128xf32, #tpu.memory_space<vmem_shared>>)
        tpu.yield
      }) : () -> ()
    } else {
    }
    %barrier3A_305 = arith.constant 0 : index
    tpu.barrier barrier_id(%barrier3A_305)
    "tpu.region"() ({
      %run_scoped3A = tpu.sem_alloc : memref<!tpu.dma_semaphore, #tpu.memory_space<semaphore_mem>>
      %dma_start3A_311 = arith.constant 0 : i32
      %dma_start3A_312 = tpu.memref_slice %arg4[%arg0, %mul3A_34, %dma_start3A_311] : memref<2x10000x128xf32, #tpu.memory_space<hbm>> -> memref<1x624x128xf32, #tpu.memory_space<hbm>>
      %dma_start3A_313 = tpu.memref_squeeze %dma_start3A_312 : memref<1x624x128xf32, #tpu.memory_space<hbm>> -> memref<624x128xf32, #tpu.memory_space<hbm>>
      %dma_start3A_314 = arith.constant 0 : i32
      %dma_start3A_315 = tpu.memref_slice %arg26[%mul3A_34, %dma_start3A_314] : memref<10000x128xf32, #tpu.memory_space<vmem_shared>> -> memref<624x128xf32, #tpu.memory_space<vmem_shared>>
      tpu.enqueue_dma source(%dma_start3A_315 : memref<624x128xf32, #tpu.memory_space<vmem_shared>>) target(%dma_start3A_313 : memref<624x128xf32, #tpu.memory_space<hbm>>) target_semaphore(%run_scoped3A : memref<!tpu.dma_semaphore, #tpu.memory_space<semaphore_mem>>)
      %dma_wait3A_316 = arith.constant 0 : i32
      %dma_wait3A_317 = tpu.memref_slice %arg4[%arg0, %mul3A_34, %dma_wait3A_316] : memref<2x10000x128xf32, #tpu.memory_space<hbm>> -> memref<1x624x128xf32, #tpu.memory_space<hbm>>
      %dma_wait3A_318 = tpu.memref_squeeze %dma_wait3A_317 : memref<1x624x128xf32, #tpu.memory_space<hbm>> -> memref<624x128xf32, #tpu.memory_space<hbm>>
      %dma_wait3A_319 = arith.constant 0 : i32
      %dma_wait3A_320 = tpu.memref_slice %arg26[%mul3A_34, %dma_wait3A_319] : memref<10000x128xf32, #tpu.memory_space<vmem_shared>> -> memref<624x128xf32, #tpu.memory_space<vmem_shared>>
      tpu.wait_dma2 semaphore(%run_scoped3A : memref<!tpu.dma_semaphore, #tpu.memory_space<semaphore_mem>>) src(%dma_wait3A_320 : memref<624x128xf32, #tpu.memory_space<vmem_shared>>) dst(%dma_wait3A_318 : memref<624x128xf32, #tpu.memory_space<hbm>>)
      tpu.yield
    }) : () -> ()
    %eq3A_306 = arith.constant 15 : i32
    %eq3A_307 = arith.cmpi eq, %arg1, %eq3A_306 : i32
    %convert_element_type3A_308 = arith.extui %eq3A_307 : i1 to i32
    %cond3A_309 = arith.constant 0 : i32
    %cond3A_310 = arith.cmpi ne, %convert_element_type3A_308, %cond3A_309 : i32
    scf.if %cond3A_310 {
      "tpu.region"() ({
        %run_scoped3A = tpu.sem_alloc : memref<!tpu.dma_semaphore, #tpu.memory_space<semaphore_mem>>
        %dma_start3A_311 = arith.constant 9984 : i32
        %dma_start3A_312 = arith.constant 0 : i32
        %dma_start3A_313 = tpu.memref_slice %arg4[%arg0, %dma_start3A_311, %dma_start3A_312] : memref<2x10000x128xf32, #tpu.memory_space<hbm>> -> memref<1x16x128xf32, #tpu.memory_space<hbm>>
        %dma_start3A_314 = tpu.memref_squeeze %dma_start3A_313 : memref<1x16x128xf32, #tpu.memory_space<hbm>> -> memref<16x128xf32, #tpu.memory_space<hbm>>
        %dma_start3A_315 = arith.constant 9984 : i32
        %dma_start3A_316 = arith.constant 0 : i32
        %dma_start3A_317 = tpu.memref_slice %arg26[%dma_start3A_315, %dma_start3A_316] : memref<10000x128xf32, #tpu.memory_space<vmem_shared>> -> memref<16x128xf32, #tpu.memory_space<vmem_shared>>
        tpu.enqueue_dma source(%dma_start3A_317 : memref<16x128xf32, #tpu.memory_space<vmem_shared>>) target(%dma_start3A_314 : memref<16x128xf32, #tpu.memory_space<hbm>>) target_semaphore(%run_scoped3A : memref<!tpu.dma_semaphore, #tpu.memory_space<semaphore_mem>>)
        %dma_wait3A_318 = arith.constant 9984 : i32
        %dma_wait3A_319 = arith.constant 0 : i32
        %dma_wait3A_320 = tpu.memref_slice %arg4[%arg0, %dma_wait3A_318, %dma_wait3A_319] : memref<2x10000x128xf32, #tpu.memory_space<hbm>> -> memref<1x16x128xf32, #tpu.memory_space<hbm>>
        %dma_wait3A_321 = tpu.memref_squeeze %dma_wait3A_320 : memref<1x16x128xf32, #tpu.memory_space<hbm>> -> memref<16x128xf32, #tpu.memory_space<hbm>>
        %dma_wait3A_322 = arith.constant 9984 : i32
        %dma_wait3A_323 = arith.constant 0 : i32
        %dma_wait3A_324 = tpu.memref_slice %arg26[%dma_wait3A_322, %dma_wait3A_323] : memref<10000x128xf32, #tpu.memory_space<vmem_shared>> -> memref<16x128xf32, #tpu.memory_space<vmem_shared>>
        tpu.wait_dma2 semaphore(%run_scoped3A : memref<!tpu.dma_semaphore, #tpu.memory_space<semaphore_mem>>) src(%dma_wait3A_324 : memref<16x128xf32, #tpu.memory_space<vmem_shared>>) dst(%dma_wait3A_321 : memref<16x128xf32, #tpu.memory_space<hbm>>)
        tpu.yield
      }) : () -> ()
    } else {
    }
    return
  }
}

</mosaic_0001>

<sc_bundles>
// kernel: _sc_scatter.3.cloned.1.call-start
scs
__scs_entry_jumppad:
0x0: {  	(pc) =	sbr.rel $0x88, $3  }
0x1: {  	(tag) =	ssettag $0x0;
	lr =	simm.s32 $0x1  }
0x2: {  	[smem:$0x3F9F] =	sst lr;
	_ =	strace $0xD0000000  }
0x3: {  	_ = 	snop  }
0x4: {  	_ = 	snop  }
0x5: {  	_ = 	snop  }
0x6: {  	_ = 	snop  }
0x7: {  	_ = 	snop  }
__scs_overlays_trampoline_lowered:
0x8: {  	[smem:$0x3FAE] =	sst s0  }
0x9: {  	[smem:$0x3FAF] =	sst s1  }
0xa: {  	[smem:$0x3FB0] =	sst s2  }
0xb: {  	[smem:$0x3FB1] =	sst s3  }
0xc: {  	[smem:$0x3FB2] =	sst s4  }
0xd: {  	[smem:$0x3FB3] =	sst s5  }
0xe: {  	[smem:$0x3FB4] =	sst s6  }
0xf: {  	[smem:$0x3FB5] =	sst s7  }
0x10: {  	[smem:$0x3FB6] =	sst s8  }
0x11: {  	[smem:$0x3FB7] =	sst s9;
	s0 =	simm.s32 @!p0 $0x0  }
0x12: {  	s1 =	sld [smem:$0x3F9D];
	s0 =	simm.s32 @p0 $0x1  }
0x13: {  	[smem:$0x3FB8] =	sst s0;
	s0 =	simm.s32 @!p1 $0x0  }
0x14: {  	s2 =	sld [smem:$0x3F9C];
	s0 =	simm.s32 @p1 $0x1  }
0x15: {  	[smem:$0x3FB9] =	sst s0;
	s0 =	simm.s32 @!p2 $0x0  }
0x16: {  	s3 =	sld [smem:$0x3FDB];
	s0 =	simm.s32 @p2 $0x1  }
0x17: {  	s4 =	simm.s32 $0x1BF5;
	[smem:$0x3FBB] =	sst s0  }
0x18: {  	s0 =	sld [smem:$0x3F9E];
	_ =	swait.ge [sflag:s4], $0x0  }
0x19: {  	s7 =	sld [smem:$0x3F9F]  }
0x1a: {  	s8 =	sadd.s32 $0xFFFFE003, lr  }
0x1b: {  	s9 =	sadd.s32 $0xFFFFFEF7, lr;
	s5 =	simm.s32 $0xFFFFFFFF;
	p2 =	slt.u32 s8, $0xFFFFF086  }
0x1c: {  	p1 =	slt.u32 s9, $0xF7A;
	s5 =	simm.s32 @!p2 $0x0  }
0x1d: {  	s5 =	simm.s32 @p1 $0x1;
	p0 =	seq.s32 s7, s2  }
0x1e: {  	s7 =	smul.u32 @!p0 $0xF7A, s2;
	p2 =	seq.s32 @!p0 s5, $0x0  }
0x1f: {  	s9 =	smul.u32 $0xF7A, s1;
	s8 =	simm.s32 @!p0 $0x1BF5;
	p2 =	por !p2, p0  }
0x20: {  	[sflag:s8] =	ssyncset.s32 @!p0 $0xFFFFF086;
	s6 =	sadd.s32 @!p0 s3, s7;
	s7 =	simm.s32 @!p0 $0x108  }
0x21: {  	s3 =	sadd.s32 s3, s9;
	s6 =	sadd.s32 @!p0 $0x88, s6;
	s7 =	simm.s32 @p2 $0x1082  }
0x22: {  	[simem:s7], [sflag:s8] =	dma.local @!p0 [hbm:s6], $0xF7A  }
0x23: {  	s9 =	sor.u32 $0xD0000000, s2;
	s6 =	simm.s32 $0x108;
	_ =	swait.ge @!p0 [sflag:s8], $0x0  }
0x24: {  	s3 =	sadd.s32 $0x88, s3;
	s6 =	simm.s32 @!p1 $0x1082;
	[sflag:s4] =	ssyncset.s32 $0xFFFFF086  }
0x25: {  	[simem:s6], [sflag:s4] =	dma.local [hbm:s3], $0xF7A  }
0x26: {  	[smem:$0x3F9F] =	sst s1;
	(tag) =	ssettag s2;
	_ =	strace s9  }
0x27: {  	s1 =	sld [smem:$0x3FAF]  }
0x28: {  	s2 =	sld [smem:$0x3FB0]  }
0x29: {  	s4 =	sld [smem:$0x3FB2]  }
0x2a: {  	p0 =	seq.s32 s5, $0x0;
	s5 =	sld [smem:$0x3FB3]  }
0x2b: {  	s6 =	sld [smem:$0x3FB4]  }
0x2c: {  	s7 =	sld [smem:$0x3FB5]  }
0x2d: {  	s3 =	simm.s32 $0x108;
	s8 =	sld [smem:$0x3FB6]  }
0x2e: {  	s3 =	simm.s32 @!p0 $0x1082;
	s9 =	sld [smem:$0x3FB7]  }
0x2f: {  	lr =	sadd.s32 s0, s3;
	s0 =	sld [smem:$0x3FAE]  }
0x30: {  	s3 =	sld [smem:$0x3FB1]  }
0x31: {  	[smem:$0x3FBA] =	sst s10  }
0x32: {  	s10 =	sld [smem:$0x3FB8];
	_ =	sdelay $0x3  }
0x33: {  	p0 =	seq.s32 s10, $0x1;
	s10 =	sld [smem:$0x3FBA];
	_ =	sdelay $0x3  }
0x34: {  	[smem:$0x3FBA] =	sst s10  }
0x35: {  	s10 =	sld [smem:$0x3FB9];
	_ =	sdelay $0x3  }
0x36: {  	p1 =	seq.s32 s10, $0x1;
	s10 =	sld [smem:$0x3FBA];
	_ =	sdelay $0x3  }
0x37: {  	[smem:$0x3FBA] =	sst s10  }
0x38: {  	s10 =	sld [smem:$0x3FBB]  }
0x39: {  	_ = 	snop;
	(pc) =	sbr.ind lr, $3  }
0x3a: {  	_ = 	snop  }
0x3b: {  	_ = 	snop  }
0x3c: {  	p2 =	seq.s32 s10, $0x1;
	s10 =	sld [smem:$0x3FBA]  }
0x3d: {  	_ =	shalt  }
0x3e: {  	_ =	shalt  }
0x3f: {  	_ =	shalt  }
0x40: {  	_ =	shalt  }
0x41: {  	_ =	shalt  }
0x42: {  	_ =	shalt  }
0x43: {  	_ =	shalt  }
0x44: {  	_ =	shalt  }
0x45: {  	_ =	shalt  }
0x46: {  	_ =	shalt  }
0x47: {  	_ =	shalt  }
0x48: {  	_ =	shalt  }
0x49: {  	_ =	shalt  }
0x4a: {  	_ =	shalt  }
0x4b: {  	_ =	shalt  }
0x4c: {  	_ =	shalt  }
0x4d: {  	_ =	shalt  }
0x4e: {  	_ =	shalt  }
0x4f: {  	_ =	shalt  }
0x50: {  	_ =	shalt  }
0x51: {  	_ =	shalt  }
0x52: {  	_ =	shalt  }
0x53: {  	_ =	shalt  }
0x54: {  	_ =	shalt  }
0x55: {  	_ =	shalt  }
0x56: {  	_ =	shalt  }
0x57: {  	_ =	shalt  }
0x58: {  	_ =	shalt  }
0x59: {  	_ =	shalt  }
0x5a: {  	_ =	shalt  }
0x5b: {  	_ =	shalt  }
0x5c: {  	_ =	shalt  }
0x5d: {  	_ =	shalt  }
0x5e: {  	_ =	shalt  }
0x5f: {  	_ =	shalt  }
0x60: {  	_ =	shalt  }
0x61: {  	_ =	shalt  }
0x62: {  	_ =	shalt  }
0x63: {  	_ =	shalt  }
0x64: {  	_ =	shalt  }
0x65: {  	_ =	shalt  }
0x66: {  	_ =	shalt  }
0x67: {  	_ =	shalt  }
0x68: {  	_ =	shalt  }
0x69: {  	_ =	shalt  }
0x6a: {  	_ =	shalt  }
0x6b: {  	_ =	shalt  }
0x6c: {  	_ =	shalt  }
0x6d: {  	_ =	shalt  }
0x6e: {  	_ =	shalt  }
0x6f: {  	_ =	shalt  }
0x70: {  	_ =	shalt  }
0x71: {  	_ =	shalt  }
0x72: {  	_ =	shalt  }
0x73: {  	_ =	shalt  }
0x74: {  	_ =	shalt  }
0x75: {  	_ =	shalt  }
0x76: {  	_ =	shalt  }
0x77: {  	_ =	shalt  }
0x78: {  	_ =	shalt  }
0x79: {  	_ =	shalt  }
0x7a: {  	_ =	shalt  }
0x7b: {  	_ =	shalt  }
0x7c: {  	_ =	shalt  }
0x7d: {  	_ =	shalt  }
0x7e: {  	_ =	shalt  }
0x7f: {  	_ =	shalt  }
0x80: {  	_ =	shalt  }
0x81: {  	_ =	shalt  }
0x82: {  	_ =	shalt  }
0x83: {  	_ =	shalt  }
0x84: {  	_ =	shalt  }
0x85: {  	_ =	shalt  }
0x86: {  	_ =	shalt  }
0x87: {  	_ =	shalt  }
.Lfunc_end0:
.L_simem_size_0:
called_computation_lowered:
.L_overlay_start_0:
0x88: {  	s2 =	sld [smem:$0x3FD9]  }
0x89: {  	s3 =	sld [smem:$0x3FFE];
	_ =	sdelay $0x1  }
0x8a: {  	s1 =	srdreg.scid  }
0x8b: {  	s0 =	sand.u32 $0x1, s1  }
0x8c: {  	s18 =	sshll.u32 s0, $0xA;
	s2 =	sadd.s32 s3, s2  }
0x8d: {  	s2 =	sadd.s32 s2, s18  }
0x8e: {  	[smem:$0x3FC6] =	sst s2  }
0x8f: {  	_ = 	snop  }
0x90: {  	s2 =	sld [smem:$0x3FC9]  }
0x91: {  	s19 =	sld [smem:$0x3FC8]  }
0x92: {  	s4 =	sld [smem:$0x3FD0];
	(tm) =	ssettm $0x1  }
0x93: {  	s5 =	sld [smem:$0x3FFB];
	_ =	sdelay $0x3  }
0x94: {  	_ =	strace s5  }
0x95: {  	s5 =	sld [smem:$0x3FFC];
	_ =	sdelay $0x3  }
0x96: {  	_ =	strace s5  }
0x97: {  	s5 =	sld [smem:$0x3FFD];
	_ =	sdelay $0x3  }
0x98: {  	_ =	strace s5  }
0x99: {  	_ =	strace $0x8FFFFFFF  }
0x9a: {  	s20 =	sld [smem:$0x3FDB];
	_ =	sdelay $0x1  }
0x9b: {  	s6 =	simm.s32 $_scs_section_size  }
0x9c: {  	s7 =	simm.s32 $_size__tile_overlayer_lowered;
	s8 =	simm.s32 $_tile_overlayer_lowered  }
0x9d: {  	s23 =	simm.s32 $0x1BFF;
	s22 =	sshll.u32 s8, $0x1;
	s5 =	sadd.s32 s6, s20  }
0x9e: {  	s9 =	simm.s32 $0x0;
	s21 =	sshll.u32 s7, $0x1;
	s7 =	sadd.s32 s22, s5  }
0x9f: {  	[timem:s9], [sflag:s23] =	dma.local [hbm:s7], s21  }
0xa0: {  	_ =	swait.ge [sflag:s23], s21  }
0xa1: {  	s6 =	ssub.s32 $0x0, s21;
	[sflag:s23] =	ssyncset.done $0x0  }
0xa2: {  	[sflag:s23] =	ssyncadd.s32 s6;
	_ =	sdelay $0x1  }
0xa3: {  	s24 =	simm.s32 $0x1B8B  }
0xa4: {  	_ =	swait.ge [sflag:s24], $0x1  }
0xa5: {  	[sflag:s24] =	ssyncset.done $0x0  }
0xa6: {  	s25 =	simm.s32 $0x1B8E;
	[sflag:s24] =	ssyncadd.s32 $0xFFFFFFFF  }
0xa7: {  	s26 =	simm.s32 $execute0_lowered;
	[smem:$0x3FD2] =	sst s25  }
0xa8: {  	s6 =	sshll.u32 s26, $0x1;
	_ =	strace $0x80000046;
	[dreg:$0x1] =	wrdreg $0xFFFFFFFF  }
0xa9: {  	s28 =	simm.s32 $_size_execute0_lowered;
	s5 =	sadd.s32 s5, s6;
	[dreg:$0x0] =	wrdreg $0x0  }
0xaa: {  	s6 =	sshll.u32 s28, $0x1;
	[dreg:$0x2] =	wrdreg s5  }
0xab: {  	[dreg:$0x3] =	wrdreg s6  }
0xac: {  	[dreg:$0x4] =	wrdreg $0xC0  }
0xad: {  	_ =	task [dreg:s9], $0x5FFFF  }
0xae: {  	[dreg:$0x1] =	wrdreg $0xFFFFFFFF  }
0xaf: {  	[dreg:$0x0] =	wrdreg $0x60  }
0xb0: {  	[dreg:$0x2] =	wrdreg s2  }
0xb1: {  	[dreg:$0x3] =	wrdreg s19  }
0xb2: {  	[dreg:$0x4] =	wrdreg s4  }
0xb3: {  	[dreg:$0x5] =	wrdreg $0xC6000  }
0xb4: {  	[dreg:$0x6] =	wrdreg $0x9  }
0xb5: {  	_ =	task.clear_ibuf [dreg:s9], $0x7FFFF;
	_ =	strace $0x90000046  }
0xb6: {  	s29 =	simm.s32 $0x9;
	_ =	strace $0x80000048  }
0xb7: {  	_ =	swait.ge [sflag:s29], $0x1  }
0xb8: {  	[sflag:s29] =	ssyncadd.s32 $0xFFFFFFFF  }
0xb9: {  	_ =	strace $0x90000048  }
0xba: {  	_ =	sfence  }
0xbb: {  	s30 =	sld [smem:$0x0];
	_ =	sdelay $0x2  }
0xbc: {  	s31 =	sshll.u32 s1, $0xD;
	s1 =	sshrl.u32 s1, $0x2  }
0xbd: {  	s3 =	sand.u32 $0x4000, s31;
	s1 =	sadd.s32 s1, s30  }
0xbe: {  	s0 =	sor.u32 s3, s0;
	s1 =	sshll.u32 s1, $0x11  }
0xbf: {  	s0 =	sor.u32 s1, s0  }
0xc0: {  	s0 =	sadd.s32 $0x8F2B, s0  }
0xc1: {  	[sflag:s0] =	ssyncadd.remote.s32 $0x1  }
0xc2: {  	_ =	sfence.sel $0xFFFF  }
0xc3: {  	[dreg:$0x0] =	wrdreg $0xFFFFFFFF;
	(pc) =	sbr.abs _section_cstart, $3  }
0xc4: {  	[dreg:$0x1] =	wrdreg $0xFFFFFFFF  }
0xc5: {  	_ =	task.clear_ibuf [dreg:s9], $0x2FFFF;
	_ =	strace $0x9FFFFFFF  }
0xc6: {  	(tm) =	ssettm $0x7FFFFFFF  }
0xc7: {  	_ =	shalt  }
tec
execute0_lowered:
.L_overlay_start_1:
0x0: {  	(tag) =	ssettag $0x1  }
0x1: {  	s0 =	rddreg [dreg:$0x0]  }
0x2: {  	s1 =	srdreg.scid;
	s2 =	rddreg [dreg:$0x1]  }
0x3: {  	s5 =	rddreg [dreg:$0x2];
	s12 =	stileid.u32  }
0x4: {  	s3 =	rddreg [dreg:$0x3];
	s28 =	simm.s32 $0x1;
	s29 =	simm.s32 $0x80  }
0x5: {  	s30 =	simm.s32 $0x2;
	s31 =	simm.s32 $0x3;
	s10 =	smul.u32 $0x4E000, s12  }
0x6: {  	s1 =	sand.u32 $0x1, s1;
	s23 =	sadd.s32 $0x20, s2;
	s15 =	smul.u32 $0x4E, s12  }
0x7: {  	s14 =	sadd.s32 $0x138000, s3;
	s18 =	sshll.u32 s12, $0x5;
	s20 =	smul.u32 $0x13800, s12  }
0x8: {  	p0 =	sne.s32 s12, $0xF;
	p1 =	sgt.u32 s12, $0x1;
	s4 =	sshll.u32 s1, $0x4  }
0x9: {  	s8 =	ssub.s32 $0x2, s1;
	s13 =	smul.u32 $0x4E0, s1;
	s17 =	sshll.u32 s1, $0x6  }
0xa: {  	s19 =	sadd.s32 s18, s2;
	s1 =	smul.u32 $0x138800, s1;
	s18 =	simm.s32 $0x6  }
0xb: {  	s6 =	sor.u32 s12, s4;
	s4 =	simm.s32 $0x0;
	s9 =	sshrl.u32 s8, $0x1  }
0xc: {  	s22 =	sshrl.u32 s10, $0x2;
	s12 =	simm.s32 $0xA;
	s10 =	simm.s32 $0x0  }
0xd: {  	[smem:$0x7FF] =	sst s4;
	s8 =	ssub.s32 s8, s9;
	s9 =	sadd.s32 s22, s3  }
0xe: {  	s7 =	smul.u32 $0x9C0, s6;
	_ =	strace $0x80000047;
	[dreg:$0xc] =	wrdreg s9  }
0xf: {  	s6 =	smul.u32 $0x4E00, s6;
	s25 =	sadd.s32 $0x4000, s9;
	[dreg:$0x13] =	wrdreg s14  }
0x10: {  	s26 =	sadd.s32 $0x8000, s9;
	s11 =	sadd.s32 $0xC000, s9;
	[dreg:$0xf] =	wrdreg s25  }
0x11: {  	s9 =	sadd.s32 $0x10000, s9;
	s14 =	simm.s32 $0x4;
	[dreg:$0x10] =	wrdreg s26  }
0x12: {  	s21 =	sadd.s32 s2, s7;
	s6 =	sshrl.u32 s6, $0x3;
	[dreg:$0x11] =	wrdreg s11  }
0x13: {  	s7 =	sadd.s32 s7, s23;
	[dreg:$0x12] =	wrdreg s9;
	s9 =	sadd.s32 s20, s1  }
0x14: {  	s1 =	sshrl.u32 s1, $0x3;
	s26 =	smax.u32 s8, $0x1;
	s8 =	simm.s32 $0x400  }
0x15: {  	s20 =	simm.s32 $0x380;
	[dreg:$0xb] =	wrdreg s21;
	s6 =	sadd.s32 s2, s6  }
0x16: {  	[dreg:$0xd] =	wrdreg s7;
	s7 =	sadd.s32 s15, s13;
	s9 =	sshrl.u32 s9, $0x3  }
0x17: {  	s1 =	sadd.s32 s5, s1;
	[dreg:$0x1a] =	wrdreg s26;
	s24 =	sadd.s32 $0x40, s6  }
0x18: {  	s26 =	simm.s32 $0x8600;
	s11 =	sadd.s32 $0x960, s6;
	[dreg:$0xe] =	wrdreg s24  }
0x19: {  	s15 =	simm.s32 $0xB;
	s16 =	sadd.s32 $0x980, s6;
	[dreg:$0x14] =	wrdreg s11  }
0x1a: {  	s6 =	sadd.s32 $0x9A0, s6;
	s7 =	sshll.u32 s7, $0x5;
	[dreg:$0x15] =	wrdreg s16  }
0x1b: {  	s9 =	sadd.s32 s5, s9;
	s1 =	sadd.s32 $0x27000, s1;
	[dreg:$0x16] =	wrdreg s6  }
0x1c: {  	s5 =	simm.s32 $0x8;
	s6 =	sadd.s32 s17, s19;
	[dreg:$0x18] =	wrdreg s9  }
0x1d: {  	s2 =	sadd.s32 s2, s7;
	[dreg:$0x19] =	wrdreg s1;
	s6 =	sadd.s32 $0x13800, s6  }
0x1e: {  	s7 =	sadd.s32 s23, s7;
	s21 =	sadd.s32 $0x100, s2;
	[dreg:$0x17] =	wrdreg s6  }
0x1f: {  	s1 =	simm.s32 $0x300;
	s22 =	sadd.s32 $0xC0, s7;
	[dreg:$0x5] =	wrdreg s21  }
0x20: {  	s9 =	simm.s32 $0x9;
	s23 =	sadd.s32 $0xC0, s2;
	[dreg:$0x6] =	wrdreg s22  }
0x21: {  	s11 =	simm.s32 $0x500;
	s24 =	sadd.s32 $0x80, s7;
	[dreg:$0x7] =	wrdreg s23  }
0x22: {  	s16 =	simm.s32 $0x5;
	s2 =	sadd.s32 $0x80, s2;
	[dreg:$0x8] =	wrdreg s24  }
0x23: {  	s17 =	simm.s32 $0xC;
	s25 =	sadd.s32 $0x40, s7;
	[dreg:$0x9] =	wrdreg s2  }
0x24: {  	[dreg:$0xa] =	wrdreg s25;
	s21 =	simm.s32 $0x100;
	s22 =	simm.s32 $0x200  }
0x25: {  	v0 =	vimm.f32 $0.0e+00;
	s23 =	simm.s32 $0x600;
	s25 =	simm.s32 $0x4600;
	s2 =	simm.s32 $0x7  }
.LBB2_1:
0x26: {  	s6 =	rddreg [dreg:$0xb]  }
0x27: {  	[tilespmem:s4], [sflag:$0x1] =	stream.linear.gather [hbm4b:s6+s4], $0x100, $0x38;
	[tilespmem:$0x1FE80] =	vst v63  }
0x28: {  	s19 =	rddreg [dreg:$0xd]  }
0x29: {  	[tilespmem:s21], [sflag:$0x2] =	stream.linear.gather [hbm4b:s19+s4], $0x100, $0x38;
	[tilespmem:$0x1FE80] =	vst v63  }
0x2a: {  	s24 =	rddreg [dreg:$0xe]  }
0x2b: {  	[tilespmem:s22], [sflag:$0x3] =	stream.linear.gather [hbm4b:s24+s4], $0x100, $0x38;
	[tilespmem:$0x1FE80] =	vst v63  }
0x2c: {  	[dreg:$0x1b] =	wrdreg s10;
	s6 =	simm.s32 $0x0;
	s24 =	simm.s32 $0x200  }
.LBB2_2:
0x2d: {  	p2 =	sne.s32 s24, $0xFE00;
	[tilespmem:s6+$0x8670] =	vst v0  }
0x2e: {  	[tilespmem:s6+$0x600] =	vst v0  }
0x2f: {  	[tilespmem:s6+$0x610] =	vst v0  }
0x30: {  	[tilespmem:s6+$0x620] =	vst v0  }
0x31: {  	[tilespmem:s6+$0x630] =	vst v0  }
0x32: {  	[tilespmem:s6+$0x640] =	vst v0  }
0x33: {  	[tilespmem:s6+$0x650] =	vst v0  }
0x34: {  	[tilespmem:s6+$0x660] =	vst v0  }
0x35: {  	[tilespmem:s6+$0x670] =	vst v0  }
0x36: {  	[tilespmem:s6+$0x4600] =	vst v0  }
0x37: {  	[tilespmem:s6+$0x4610] =	vst v0  }
0x38: {  	[tilespmem:s6+$0x4620] =	vst v0  }
0x39: {  	[tilespmem:s6+$0x4630] =	vst v0  }
0x3a: {  	[tilespmem:s6+$0x4640] =	vst v0  }
0x3b: {  	[tilespmem:s6+$0x4650] =	vst v0  }
0x3c: {  	[tilespmem:s6+$0x4660] =	vst v0  }
0x3d: {  	[tilespmem:s6+$0x4670] =	vst v0  }
0x3e: {  	[tilespmem:s6+$0x8600] =	vst v0  }
0x3f: {  	[tilespmem:s6+$0x8610] =	vst v0  }
.Ltmp0:
0x40: {  	[tilespmem:s6+$0x8620] =	vst v0;
	(pc) =	sbr.rel @p2 .LBB2_2-.Ltmp0, $4  }
0x41: {  	[tilespmem:s6+$0x8630] =	vst v0  }
0x42: {  	[tilespmem:s6+$0x8640] =	vst v0  }
0x43: {  	[tilespmem:s6+$0x8650] =	vst v0  }
0x44: {  	[tilespmem:s6+$0x8660] =	vst v0;
	s6 =	sshra.s32 s24, $0x2;
	s24 =	sadd.s32 $0x200, s24  }
0x45: {  	[tilespmem:s6+$0x8670] =	vst v0  }
0x46: {  	[tilespmem:s6+$0x600] =	vst v0  }
0x47: {  	[tilespmem:s6+$0x610] =	vst v0  }
0x48: {  	[tilespmem:s6+$0x620] =	vst v0  }
0x49: {  	[tilespmem:s6+$0x630] =	vst v0  }
0x4a: {  	[tilespmem:s6+$0x640] =	vst v0  }
0x4b: {  	[tilespmem:s6+$0x650] =	vst v0  }
0x4c: {  	[tilespmem:s6+$0x660] =	vst v0  }
0x4d: {  	[tilespmem:s6+$0x670] =	vst v0  }
0x4e: {  	[tilespmem:s6+$0x4600] =	vst v0  }
0x4f: {  	[tilespmem:s6+$0x4610] =	vst v0  }
0x50: {  	[tilespmem:s6+$0x4620] =	vst v0  }
0x51: {  	[tilespmem:s6+$0x4630] =	vst v0  }
0x52: {  	[tilespmem:s6+$0x4640] =	vst v0  }
0x53: {  	[tilespmem:s6+$0x4650] =	vst v0  }
0x54: {  	[tilespmem:s6+$0x4660] =	vst v0  }
0x55: {  	[tilespmem:s6+$0x4670] =	vst v0  }
0x56: {  	[tilespmem:s6+$0x8600] =	vst v0  }
0x57: {  	[tilespmem:s6+$0x8610] =	vst v0  }
0x58: {  	[tilespmem:s6+$0x8620] =	vst v0  }
0x59: {  	[tilespmem:s6+$0x8630] =	vst v0  }
0x5a: {  	[tilespmem:s6+$0x8640] =	vst v0  }
0x5b: {  	[tilespmem:s6+$0x8650] =	vst v0  }
0x5c: {  	[tilespmem:s6+$0x8660] =	vst v0;
	s7 =	rddreg [dreg:$0xc]  }
0x5d: {  	[spmem:s7] =	stream.linear.scatter [tilespmem:s23], [sflag:$0xD], $0x4000, $0x38;
	[tilespmem:$0x1FE80] =	vst v63  }
0x5e: {  	s7 =	simm.s32 $0xD  }
0x5f: {  	_ =	swait.ge [sflag:s7], $0x4000  }
0x60: {  	[sflag:s7] =	ssyncset.done $0x0  }
0x61: {  	s10 =	rddreg [dreg:$0xf];
	[sflag:s7] =	ssyncadd.s32 $0xFFFFC000  }
0x62: {  	[spmem:s10] =	stream.linear.scatter [tilespmem:s25], [sflag:$0xD], $0x4000, $0x38;
	[tilespmem:$0x1FE80] =	vst v63  }
0x63: {  	_ =	swait.ge [sflag:s7], $0x4000  }
0x64: {  	[sflag:s7] =	ssyncset.done $0x0  }
0x65: {  	s13 =	rddreg [dreg:$0x10];
	[sflag:s7] =	ssyncadd.s32 $0xFFFFC000  }
0x66: {  	[spmem:s13] =	stream.linear.scatter [tilespmem:s26], [sflag:$0xD], $0x4000, $0x38;
	[tilespmem:$0x1FE80] =	vst v63  }
0x67: {  	_ =	swait.ge [sflag:s7], $0x4000  }
0x68: {  	[sflag:s7] =	ssyncset.done $0x0  }
0x69: {  	s19 =	rddreg [dreg:$0x11];
	[sflag:s7] =	ssyncadd.s32 $0xFFFFC000  }
0x6a: {  	[spmem:s19] =	stream.linear.scatter [tilespmem:s23], [sflag:$0xD], $0x4000, $0x38;
	[tilespmem:$0x1FE80] =	vst v63  }
0x6b: {  	_ =	swait.ge [sflag:s7], $0x4000  }
0x6c: {  	[sflag:s7] =	ssyncset.done $0x0  }
0x6d: {  	s24 =	rddreg [dreg:$0x12];
	[sflag:s7] =	ssyncadd.s32 $0xFFFFC000  }
0x6e: {  	[spmem:s24] =	stream.linear.scatter [tilespmem:s23], [sflag:$0xD], $0x3800, $0x38;
	[tilespmem:$0x1FE80] =	vst v63  }
0x6f: {  	_ =	swait.ge [sflag:s7], $0x3800  }
0x70: {  	[sflag:s7] =	ssyncset.done $0x0  }
0x71: {  	s6 =	simm.s32 @!p0 $0x600;
	[sflag:s7] =	ssyncadd.s32 $0xFFFFC800;
	s7 =	rddreg [dreg:$0x13]  }
0x72: {  	[spmem:s7] =	stream.linear.scatter @!p0 [tilespmem:s6], [sflag:$0xD], $0x800, $0x38;
	[tilespmem:$0x1FE80] =	vst v63  }
0x73: {  	s6 =	simm.s32 @!p0 $0xD  }
0x74: {  	_ =	swait.ge @!p0 [sflag:s6], $0x800  }
0x75: {  	[sflag:s6] =	ssyncset.done @!p0 $0x0  }
0x76: {  	[sflag:s6] =	ssyncadd.s32 @!p0 $0xFFFFF800  }
0x77: {  	_ =	swait.ge [sflag:s28], $0x100  }
0x78: {  	[sflag:s28] =	ssyncset.done $0x0  }
0x79: {  	s7 =	simm.s32 $0x0;
	[sflag:s28] =	ssyncadd.s32 $0xFFFFFF00  }
0x7a: {  	[tilespmem:s23], [sflag:$0x7] =	stream.indirect.gather [hbm4b:s0+s29], $0x80, s7, s29, $0xb8;
	[tilespmem:$0x1FE80] =	vst v63  }
0x7b: {  	_ =	swait.ge [sflag:s30], $0x100  }
0x7c: {  	[sflag:s30] =	ssyncset.done $0x0  }
0x7d: {  	[sflag:s30] =	ssyncadd.s32 $0xFFFFFF00  }
0x7e: {  	[tilespmem:s25], [sflag:$0x8] =	stream.indirect.gather [hbm4b:s0+s29], $0x80, s21, s29, $0xb8;
	[tilespmem:$0x1FE80] =	vst v63  }
0x7f: {  	_ =	swait.ge [sflag:s31], $0x100  }
0x80: {  	[sflag:s31] =	ssyncset.done $0x0  }
0x81: {  	[sflag:s31] =	ssyncadd.s32 $0xFFFFFF00  }
0x82: {  	[tilespmem:s26], [sflag:$0x9] =	stream.indirect.gather [hbm4b:s0+s29], $0x80, s22, s29, $0xb8;
	[tilespmem:$0x1FE80] =	vst v63  }
0x83: {  	[bflag:$0x0] =	sbarrier.arrive $0xFFFF  }
0x84: {  	_ =	swait.ge [sflag:s2], $0x4000  }
0x85: {  	[sflag:s2] =	ssyncset.done $0x0  }
0x86: {  	s10 =	rddreg [dreg:$0xa];
	[sflag:s2] =	ssyncadd.s32 $0xFFFFC000  }
0x87: {  	[spmem:s3] =	stream.indirect.scatter.add.f32 [tilespmem:s23], [sflag:$0xA], $0x80, s29, s29, $0xb8;
	[tilespmem:$0x1FE80] =	vst v63  }
0x88: {  	s6 =	sadd.s32 $0x0, s10  }
0x89: {  	[tilespmem:s1], [sflag:$0x4] =	stream.linear.gather [hbm4b:s6+s4], $0x100, $0x38;
	[tilespmem:$0x1FE80] =	vst v63  }
0x8a: {  	_ =	swait.ge [sflag:s5], $0x4000  }
0x8b: {  	[sflag:s5] =	ssyncset.done $0x0  }
0x8c: {  	s19 =	simm.s32 $0x180;
	s13 =	rddreg [dreg:$0x9];
	[sflag:s5] =	ssyncadd.s32 $0xFFFFC000  }
0x8d: {  	[spmem:s3] =	stream.indirect.scatter.add.f32 [tilespmem:s25], [sflag:$0xB], $0x80, s19, s29, $0xb8;
	[tilespmem:$0x1FE80] =	vst v63  }
0x8e: {  	s6 =	sadd.s32 $0x0, s13  }
0x8f: {  	[tilespmem:s8], [sflag:$0x5] =	stream.linear.gather [hbm4b:s6+s4], $0x100, $0x38;
	[tilespmem:$0x1FE80] =	vst v63  }
0x90: {  	_ =	swait.ge [sflag:s9], $0x4000  }
0x91: {  	[sflag:s9] =	ssyncset.done $0x0  }
0x92: {  	s10 =	simm.s32 $0x280;
	s24 =	rddreg [dreg:$0x8];
	[sflag:s9] =	ssyncadd.s32 $0xFFFFC000  }
0x93: {  	[spmem:s3] =	stream.indirect.scatter.add.f32 [tilespmem:s26], [sflag:$0xC], $0x80, s10, s29, $0xb8;
	[tilespmem:$0x1FE80] =	vst v63  }
0x94: {  	s6 =	sadd.s32 $0x0, s24  }
0x95: {  	[tilespmem:s11], [sflag:$0x6] =	stream.linear.gather [hbm4b:s6+s4], $0x100, $0x38;
	[tilespmem:$0x1FE80] =	vst v63  }
0x96: {  	_ =	swait.ge [sflag:s12], $0x4000  }
0x97: {  	[sflag:s12] =	ssyncset.done $0x0  }
0x98: {  	[sflag:s12] =	ssyncadd.s32 $0xFFFFC000  }
0x99: {  	_ =	swait.ge [sflag:s14], $0x100  }
0x9a: {  	[sflag:s14] =	ssyncset.done $0x0  }
0x9b: {  	[sflag:s14] =	ssyncadd.s32 $0xFFFFFF00  }
0x9c: {  	[tilespmem:s23], [sflag:$0x7] =	stream.indirect.gather [hbm4b:s0+s29], $0x80, s1, s29, $0xb8;
	[tilespmem:$0x1FE80] =	vst v63  }
0x9d: {  	_ =	swait.ge [sflag:s15], $0x4000  }
0x9e: {  	[sflag:s15] =	ssyncset.done $0x0  }
0x9f: {  	[sflag:s15] =	ssyncadd.s32 $0xFFFFC000  }
0xa0: {  	_ =	swait.ge [sflag:s16], $0x100  }
0xa1: {  	[sflag:s16] =	ssyncset.done $0x0  }
0xa2: {  	[sflag:s16] =	ssyncadd.s32 $0xFFFFFF00  }
0xa3: {  	[tilespmem:s25], [sflag:$0x8] =	stream.indirect.gather [hbm4b:s0+s29], $0x80, s8, s29, $0xb8;
	[tilespmem:$0x1FE80] =	vst v63  }
0xa4: {  	_ =	swait.ge [sflag:s17], $0x4000  }
0xa5: {  	[sflag:s17] =	ssyncset.done $0x0  }
0xa6: {  	[sflag:s17] =	ssyncadd.s32 $0xFFFFC000  }
0xa7: {  	_ =	swait.ge [sflag:s18], $0x100  }
0xa8: {  	[sflag:s18] =	ssyncset.done $0x0  }
0xa9: {  	[sflag:s18] =	ssyncadd.s32 $0xFFFFFF00  }
0xaa: {  	[tilespmem:s26], [sflag:$0x9] =	stream.indirect.gather [hbm4b:s0+s29], $0x80, s11, s29, $0xb8;
	[tilespmem:$0x1FE80] =	vst v63  }
0xab: {  	_ =	swait.ge [sflag:s2], $0x4000  }
0xac: {  	[sflag:s2] =	ssyncset.done $0x0  }
0xad: {  	s13 =	rddreg [dreg:$0x7];
	[sflag:s2] =	ssyncadd.s32 $0xFFFFC000  }
0xae: {  	[spmem:s3] =	stream.indirect.scatter.add.f32 [tilespmem:s23], [sflag:$0xA], $0x80, s20, s29, $0xb8;
	[tilespmem:$0x1FE80] =	vst v63  }
0xaf: {  	s6 =	sadd.s32 $0x0, s13  }
0xb0: {  	[tilespmem:s4], [sflag:$0x1] =	stream.linear.gather [hbm4b:s6+s4], $0x100, $0x38;
	[tilespmem:$0x1FE80] =	vst v63  }
0xb1: {  	_ =	swait.ge [sflag:s5], $0x4000  }
0xb2: {  	[sflag:s5] =	ssyncset.done $0x0  }
0xb3: {  	s13 =	simm.s32 $0x480;
	s19 =	rddreg [dreg:$0x6];
	[sflag:s5] =	ssyncadd.s32 $0xFFFFC000  }
0xb4: {  	[spmem:s3] =	stream.indirect.scatter.add.f32 [tilespmem:s25], [sflag:$0xB], $0x80, s13, s29, $0xb8;
	[tilespmem:$0x1FE80] =	vst v63  }
0xb5: {  	s6 =	sadd.s32 $0x0, s19  }
0xb6: {  	[tilespmem:s21], [sflag:$0x2] =	stream.linear.gather [hbm4b:s6+s4], $0x100, $0x38;
	[tilespmem:$0x1FE80] =	vst v63  }
0xb7: {  	_ =	swait.ge [sflag:s9], $0x4000  }
0xb8: {  	[sflag:s9] =	ssyncset.done $0x0  }
0xb9: {  	s10 =	simm.s32 $0x580;
	s24 =	rddreg [dreg:$0x5];
	[sflag:s9] =	ssyncadd.s32 $0xFFFFC000  }
0xba: {  	[spmem:s3] =	stream.indirect.scatter.add.f32 [tilespmem:s26], [sflag:$0xC], $0x80, s10, s29, $0xb8;
	[tilespmem:$0x1FE80] =	vst v63  }
0xbb: {  	s6 =	sadd.s32 $0x0, s24  }
0xbc: {  	[tilespmem:s22], [sflag:$0x3] =	stream.linear.gather [hbm4b:s6+s4], $0x100, $0x38;
	[tilespmem:$0x1FE80] =	vst v63  }
0xbd: {  	_ =	swait.ge [sflag:s12], $0x4000  }
0xbe: {  	[sflag:s12] =	ssyncset.done $0x0  }
0xbf: {  	[sflag:s12] =	ssyncadd.s32 $0xFFFFC000  }
0xc0: {  	_ =	swait.ge [sflag:s28], $0x100  }
0xc1: {  	[sflag:s28] =	ssyncset.done $0x0  }
0xc2: {  	[sflag:s28] =	ssyncadd.s32 $0xFFFFFF00  }
0xc3: {  	[tilespmem:s23], [sflag:$0x7] =	stream.indirect.gather [hbm4b:s0+s29], $0x80, s4, s29, $0xb8;
	[tilespmem:$0x1FE80] =	vst v63  }
0xc4: {  	_ =	swait.ge [sflag:s15], $0x4000  }
0xc5: {  	[sflag:s15] =	ssyncset.done $0x0  }
0xc6: {  	[sflag:s15] =	ssyncadd.s32 $0xFFFFC000  }
0xc7: {  	_ =	swait.ge [sflag:s30], $0x100  }
0xc8: {  	[sflag:s30] =	ssyncset.done $0x0  }
0xc9: {  	[sflag:s30] =	ssyncadd.s32 $0xFFFFFF00  }
0xca: {  	[tilespmem:s25], [sflag:$0x8] =	stream.indirect.gather [hbm4b:s0+s29], $0x80, s21, s29, $0xb8;
	[tilespmem:$0x1FE80] =	vst v63  }
0xcb: {  	_ =	swait.ge [sflag:s17], $0x4000  }
0xcc: {  	[sflag:s17] =	ssyncset.done $0x0  }
0xcd: {  	[sflag:s17] =	ssyncadd.s32 $0xFFFFC000  }
0xce: {  	_ =	swait.ge [sflag:s31], $0x100  }
0xcf: {  	[sflag:s31] =	ssyncset.done $0x0  }
0xd0: {  	s6 =	simm.s32 $0xC0;
	[sflag:s31] =	ssyncadd.s32 $0xFFFFFF00  }
.LBB2_4:
0xd1: {  	[tilespmem:s26], [sflag:$0x9] =	stream.indirect.gather [hbm4b:s0+s29], $0x80, s22, s29, $0xb8;
	[tilespmem:$0x1FE80] =	vst v63  }
0xd2: {  	_ =	swait.ge [sflag:s2], $0x4000  }
0xd3: {  	[sflag:s2] =	ssyncset.done $0x0  }
0xd4: {  	s24 =	smov.u32 s6;
	s7 =	rddreg [dreg:$0xa];
	[sflag:s2] =	ssyncadd.s32 $0xFFFFC000  }
0xd5: {  	[spmem:s3] =	stream.indirect.scatter.add.f32 [tilespmem:s23], [sflag:$0xA], $0x80, s29, s29, $0xb8;
	[tilespmem:$0x1FE80] =	vst v63  }
0xd6: {  	s7 =	sadd.s32 s24, s7  }
0xd7: {  	[tilespmem:s1], [sflag:$0x4] =	stream.linear.gather [hbm4b:s7+s4], $0x100, $0x38;
	[tilespmem:$0x1FE80] =	vst v63  }
0xd8: {  	_ =	swait.ge [sflag:s5], $0x4000  }
0xd9: {  	[sflag:s5] =	ssyncset.done $0x0  }
0xda: {  	s19 =	simm.s32 $0x180;
	s7 =	rddreg [dreg:$0x9];
	[sflag:s5] =	ssyncadd.s32 $0xFFFFC000  }
0xdb: {  	[spmem:s3] =	stream.indirect.scatter.add.f32 [tilespmem:s25], [sflag:$0xB], $0x80, s19, s29, $0xb8;
	[tilespmem:$0x1FE80] =	vst v63  }
0xdc: {  	s7 =	sadd.s32 s24, s7  }
0xdd: {  	[tilespmem:s8], [sflag:$0x5] =	stream.linear.gather [hbm4b:s7+s4], $0x100, $0x38;
	[tilespmem:$0x1FE80] =	vst v63  }
0xde: {  	_ =	swait.ge [sflag:s9], $0x4000  }
0xdf: {  	[sflag:s9] =	ssyncset.done $0x0  }
0xe0: {  	s19 =	simm.s32 $0x280;
	s7 =	rddreg [dreg:$0x8];
	[sflag:s9] =	ssyncadd.s32 $0xFFFFC000  }
0xe1: {  	[spmem:s3] =	stream.indirect.scatter.add.f32 [tilespmem:s26], [sflag:$0xC], $0x80, s19, s29, $0xb8;
	[tilespmem:$0x1FE80] =	vst v63  }
0xe2: {  	s7 =	sadd.s32 s24, s7  }
0xe3: {  	[tilespmem:s11], [sflag:$0x6] =	stream.linear.gather [hbm4b:s7+s4], $0x100, $0x38;
	[tilespmem:$0x1FE80] =	vst v63  }
0xe4: {  	_ =	swait.ge [sflag:s12], $0x4000  }
0xe5: {  	[sflag:s12] =	ssyncset.done $0x0  }
0xe6: {  	[sflag:s12] =	ssyncadd.s32 $0xFFFFC000  }
0xe7: {  	_ =	swait.ge [sflag:s14], $0x100  }
0xe8: {  	[sflag:s14] =	ssyncset.done $0x0  }
0xe9: {  	[sflag:s14] =	ssyncadd.s32 $0xFFFFFF00  }
0xea: {  	[tilespmem:s23], [sflag:$0x7] =	stream.indirect.gather [hbm4b:s0+s29], $0x80, s1, s29, $0xb8;
	[tilespmem:$0x1FE80] =	vst v63  }
0xeb: {  	_ =	swait.ge [sflag:s15], $0x4000  }
0xec: {  	[sflag:s15] =	ssyncset.done $0x0  }
0xed: {  	[sflag:s15] =	ssyncadd.s32 $0xFFFFC000  }
0xee: {  	_ =	swait.ge [sflag:s16], $0x100  }
0xef: {  	[sflag:s16] =	ssyncset.done $0x0  }
0xf0: {  	[sflag:s16] =	ssyncadd.s32 $0xFFFFFF00  }
0xf1: {  	[tilespmem:s25], [sflag:$0x8] =	stream.indirect.gather [hbm4b:s0+s29], $0x80, s8, s29, $0xb8;
	[tilespmem:$0x1FE80] =	vst v63  }
0xf2: {  	_ =	swait.ge [sflag:s17], $0x4000  }
0xf3: {  	[sflag:s17] =	ssyncset.done $0x0  }
0xf4: {  	[sflag:s17] =	ssyncadd.s32 $0xFFFFC000  }
0xf5: {  	_ =	swait.ge [sflag:s18], $0x100  }
0xf6: {  	[sflag:s18] =	ssyncset.done $0x0  }
0xf7: {  	[sflag:s18] =	ssyncadd.s32 $0xFFFFFF00  }
0xf8: {  	[tilespmem:s26], [sflag:$0x9] =	stream.indirect.gather [hbm4b:s0+s29], $0x80, s11, s29, $0xb8;
	[tilespmem:$0x1FE80] =	vst v63  }
0xf9: {  	_ =	swait.ge [sflag:s2], $0x4000  }
0xfa: {  	[sflag:s2] =	ssyncset.done $0x0  }
0xfb: {  	s19 =	rddreg [dreg:$0x7];
	[sflag:s2] =	ssyncadd.s32 $0xFFFFC000  }
0xfc: {  	[spmem:s3] =	stream.indirect.scatter.add.f32 [tilespmem:s23], [sflag:$0xA], $0x80, s20, s29, $0xb8;
	[tilespmem:$0x1FE80] =	vst v63  }
0xfd: {  	s7 =	sadd.s32 s24, s19  }
0xfe: {  	[tilespmem:s4], [sflag:$0x1] =	stream.linear.gather [hbm4b:s7+s4], $0x100, $0x38;
	[tilespmem:$0x1FE80] =	vst v63  }
0xff: {  	_ =	swait.ge [sflag:s5], $0x4000  }
0x100: {  	[sflag:s5] =	ssyncset.done $0x0  }
0x101: {  	s19 =	rddreg [dreg:$0x6];
	[sflag:s5] =	ssyncadd.s32 $0xFFFFC000  }
0x102: {  	[spmem:s3] =	stream.indirect.scatter.add.f32 [tilespmem:s25], [sflag:$0xB], $0x80, s13, s29, $0xb8;
	[tilespmem:$0x1FE80] =	vst v63  }
0x103: {  	s7 =	sadd.s32 s24, s19  }
0x104: {  	[tilespmem:s21], [sflag:$0x2] =	stream.linear.gather [hbm4b:s7+s4], $0x100, $0x38;
	[tilespmem:$0x1FE80] =	vst v63  }
0x105: {  	_ =	swait.ge [sflag:s9], $0x4000  }
0x106: {  	[sflag:s9] =	ssyncset.done $0x0  }
0x107: {  	s19 =	rddreg [dreg:$0x5];
	[sflag:s9] =	ssyncadd.s32 $0xFFFFC000  }
0x108: {  	[spmem:s3] =	stream.indirect.scatter.add.f32 [tilespmem:s26], [sflag:$0xC], $0x80, s10, s29, $0xb8;
	[tilespmem:$0x1FE80] =	vst v63  }
0x109: {  	s7 =	sadd.s32 s24, s19  }
0x10a: {  	[tilespmem:s22], [sflag:$0x3] =	stream.linear.gather [hbm4b:s7+s4], $0x100, $0x38;
	[tilespmem:$0x1FE80] =	vst v63  }
0x10b: {  	_ =	swait.ge [sflag:s12], $0x4000  }
0x10c: {  	[sflag:s12] =	ssyncset.done $0x0  }
0x10d: {  	[sflag:s12] =	ssyncadd.s32 $0xFFFFC000  }
0x10e: {  	_ =	swait.ge [sflag:s28], $0x100  }
0x10f: {  	[sflag:s28] =	ssyncset.done $0x0  }
0x110: {  	[sflag:s28] =	ssyncadd.s32 $0xFFFFFF00  }
0x111: {  	[tilespmem:s23], [sflag:$0x7] =	stream.indirect.gather [hbm4b:s0+s29], $0x80, s4, s29, $0xb8;
	[tilespmem:$0x1FE80] =	vst v63  }
0x112: {  	_ =	swait.ge [sflag:s15], $0x4000  }
0x113: {  	[sflag:s15] =	ssyncset.done $0x0  }
0x114: {  	[sflag:s15] =	ssyncadd.s32 $0xFFFFC000  }
0x115: {  	_ =	swait.ge [sflag:s30], $0x100  }
0x116: {  	[sflag:s30] =	ssyncset.done $0x0  }
0x117: {  	[sflag:s30] =	ssyncadd.s32 $0xFFFFFF00  }
0x118: {  	[tilespmem:s25], [sflag:$0x8] =	stream.indirect.gather [hbm4b:s0+s29], $0x80, s21, s29, $0xb8;
	[tilespmem:$0x1FE80] =	vst v63  }
0x119: {  	p2 =	sne.s32 s6, $0x840;
	_ =	swait.ge [sflag:s17], $0x4000  }
.Ltmp1:
0x11a: {  	[sflag:s17] =	ssyncset.done $0x0;
	(pc) =	sbr.rel @p2 .LBB2_4-.Ltmp1, $4  }
0x11b: {  	[sflag:s17] =	ssyncadd.s32 $0xFFFFC000  }
0x11c: {  	_ =	swait.ge [sflag:s31], $0x100  }
0x11d: {  	[sflag:s31] =	ssyncset.done $0x0  }
0x11e: {  	s6 =	sadd.s32 $0xC0, s6;
	[sflag:s31] =	ssyncadd.s32 $0xFFFFFF00  }
0x11f: {  	[tilespmem:s26], [sflag:$0x9] =	stream.indirect.gather [hbm4b:s0+s29], $0x80, s22, s29, $0xb8;
	[tilespmem:$0x1FE80] =	vst v63  }
0x120: {  	_ =	swait.ge [sflag:s2], $0x4000  }
0x121: {  	[sflag:s2] =	ssyncset.done $0x0  }
0x122: {  	[sflag:s2] =	ssyncadd.s32 $0xFFFFC000  }
0x123: {  	[spmem:s3] =	stream.indirect.scatter.add.f32 [tilespmem:s23], [sflag:$0xA], $0x80, s29, s29, $0xb8;
	[tilespmem:$0x1FE80] =	vst v63  }
0x124: {  	s6 =	rddreg [dreg:$0x14]  }
0x125: {  	[tilespmem:s1], [sflag:$0x4] =	stream.linear.gather [hbm4b:s6+s4], $0x100, $0x38;
	[tilespmem:$0x1FE80] =	vst v63  }
0x126: {  	_ =	swait.ge [sflag:s5], $0x4000  }
0x127: {  	[sflag:s5] =	ssyncset.done $0x0  }
0x128: {  	s7 =	simm.s32 $0x180;
	[sflag:s5] =	ssyncadd.s32 $0xFFFFC000  }
0x129: {  	[spmem:s3] =	stream.indirect.scatter.add.f32 [tilespmem:s25], [sflag:$0xB], $0x80, s7, s29, $0xb8;
	[tilespmem:$0x1FE80] =	vst v63  }
0x12a: {  	s19 =	rddreg [dreg:$0x15]  }
0x12b: {  	[tilespmem:s8], [sflag:$0x5] =	stream.linear.gather [hbm4b:s19+s4], $0x100, $0x38;
	[tilespmem:$0x1FE80] =	vst v63  }
0x12c: {  	_ =	swait.ge [sflag:s9], $0x4000  }
0x12d: {  	[sflag:s9] =	ssyncset.done $0x0  }
0x12e: {  	s24 =	simm.s32 $0x280;
	[sflag:s9] =	ssyncadd.s32 $0xFFFFC000  }
0x12f: {  	[spmem:s3] =	stream.indirect.scatter.add.f32 [tilespmem:s26], [sflag:$0xC], $0x80, s24, s29, $0xb8;
	[tilespmem:$0x1FE80] =	vst v63  }
0x130: {  	s7 =	rddreg [dreg:$0x16]  }
0x131: {  	[tilespmem:s11], [sflag:$0x6] =	stream.linear.gather [hbm4b:s7+s4], $0x100, $0x38;
	[tilespmem:$0x1FE80] =	vst v63  }
0x132: {  	_ =	swait.ge [sflag:s12], $0x4000  }
0x133: {  	[sflag:s12] =	ssyncset.done $0x0  }
0x134: {  	[sflag:s12] =	ssyncadd.s32 $0xFFFFC000  }
0x135: {  	_ =	swait.ge [sflag:s14], $0x100  }
0x136: {  	[sflag:s14] =	ssyncset.done $0x0  }
0x137: {  	[sflag:s14] =	ssyncadd.s32 $0xFFFFFF00  }
0x138: {  	[tilespmem:s23], [sflag:$0x7] =	stream.indirect.gather [hbm4b:s0+s29], $0x80, s1, s29, $0xb8;
	[tilespmem:$0x1FE80] =	vst v63  }
0x139: {  	_ =	swait.ge [sflag:s15], $0x4000  }
0x13a: {  	[sflag:s15] =	ssyncset.done $0x0  }
0x13b: {  	[sflag:s15] =	ssyncadd.s32 $0xFFFFC000  }
0x13c: {  	_ =	swait.ge [sflag:s16], $0x100  }
0x13d: {  	[sflag:s16] =	ssyncset.done $0x0  }
0x13e: {  	[sflag:s16] =	ssyncadd.s32 $0xFFFFFF00  }
0x13f: {  	[tilespmem:s25], [sflag:$0x8] =	stream.indirect.gather [hbm4b:s0+s29], $0x80, s8, s29, $0xb8;
	[tilespmem:$0x1FE80] =	vst v63  }
0x140: {  	_ =	swait.ge [sflag:s17], $0x4000  }
0x141: {  	[sflag:s17] =	ssyncset.done $0x0  }
0x142: {  	[sflag:s17] =	ssyncadd.s32 $0xFFFFC000  }
0x143: {  	_ =	swait.ge [sflag:s18], $0x100  }
0x144: {  	[sflag:s18] =	ssyncset.done $0x0  }
0x145: {  	[sflag:s18] =	ssyncadd.s32 $0xFFFFFF00  }
0x146: {  	[tilespmem:s26], [sflag:$0x9] =	stream.indirect.gather [hbm4b:s0+s29], $0x80, s11, s29, $0xb8;
	[tilespmem:$0x1FE80] =	vst v63  }
0x147: {  	_ =	swait.ge [sflag:s2], $0x4000  }
0x148: {  	[sflag:s2] =	ssyncset.done $0x0  }
0x149: {  	[sflag:s2] =	ssyncadd.s32 $0xFFFFC000  }
0x14a: {  	[spmem:s3] =	stream.indirect.scatter.add.f32 [tilespmem:s23], [sflag:$0xA], $0x80, s20, s29, $0xb8;
	[tilespmem:$0x1FE80] =	vst v63  }
0x14b: {  	_ =	swait.ge [sflag:s5], $0x4000  }
0x14c: {  	[sflag:s5] =	ssyncset.done $0x0  }
0x14d: {  	[sflag:s5] =	ssyncadd.s32 $0xFFFFC000  }
0x14e: {  	[spmem:s3] =	stream.indirect.scatter.add.f32 [tilespmem:s25], [sflag:$0xB], $0x80, s13, s29, $0xb8;
	[tilespmem:$0x1FE80] =	vst v63  }
0x14f: {  	_ =	swait.ge [sflag:s9], $0x4000  }
0x150: {  	[sflag:s9] =	ssyncset.done $0x0  }
0x151: {  	[sflag:s9] =	ssyncadd.s32 $0xFFFFC000  }
0x152: {  	[spmem:s3] =	stream.indirect.scatter.add.f32 [tilespmem:s26], [sflag:$0xC], $0x80, s10, s29, $0xb8;
	[tilespmem:$0x1FE80] =	vst v63  }
0x153: {  	_ =	swait.ge [sflag:s12], $0x4000  }
0x154: {  	[sflag:s12] =	ssyncset.done $0x0  }
0x155: {  	[sflag:s12] =	ssyncadd.s32 $0xFFFFC000  }
0x156: {  	_ =	swait.ge [sflag:s15], $0x4000  }
0x157: {  	[sflag:s15] =	ssyncset.done $0x0  }
0x158: {  	[sflag:s15] =	ssyncadd.s32 $0xFFFFC000  }
0x159: {  	_ =	swait.ge [sflag:s17], $0x4000  }
0x15a: {  	s7 =	simm.s32 @!p1 $0xD;
	[sflag:s17] =	ssyncset.done $0x0  }
0x15b: {  	s10 =	simm.s32 @!p1 $0x0;
	s6 =	rddreg [dreg:$0x17];
	[sflag:s17] =	ssyncadd.s32 $0xFFFFC000  }
0x15c: {  	[tilespmem:s10], [sflag:$0xD] =	stream.linear.gather @!p1 [hbm4b:s6+s10], $0x100, $0x38;
	[tilespmem:$0x1FE80] =	vst v63  }
0x15d: {  	_ =	swait.ge @!p1 [sflag:s7], $0x100  }
0x15e: {  	s24 =	simm.s32 @!p1 $0x600;
	[sflag:s7] =	ssyncset.done @!p1 $0x0  }
0x15f: {  	s13 =	simm.s32 @!p1 $0x80;
	s6 =	simm.s32 @!p1 $0x7;
	[sflag:s7] =	ssyncadd.s32 @!p1 $0xFFFFFF00  }
0x160: {  	[tilespmem:s24], [sflag:$0x7] =	stream.indirect.gather @!p1 [hbm4b:s0+s13], $0x80, s10, s13, $0xb8;
	[tilespmem:$0x1FE80] =	vst v63  }
0x161: {  	_ =	swait.ge @!p1 [sflag:s6], $0x4000  }
0x162: {  	[sflag:s6] =	ssyncset.done @!p1 $0x0  }
0x163: {  	[sflag:s6] =	ssyncadd.s32 @!p1 $0xFFFFC000  }
0x164: {  	[spmem:s3] =	stream.indirect.scatter.add.f32 @!p1 [tilespmem:s24], [sflag:$0xD], $0x80, s13, s13, $0xb8;
	[tilespmem:$0x1FE80] =	vst v63  }
0x165: {  	_ =	swait.ge @!p1 [sflag:s7], $0x4000  }
0x166: {  	[sflag:s7] =	ssyncset.done @!p1 $0x0  }
0x167: {  	s19 =	stileid.u32;
	[sflag:s7] =	ssyncadd.s32 @!p1 $0xFFFFC000  }
0x168: {  	s6 =	sshll.u32 s19, $0x6;
	[bflag:$0x0] =	sbarrier.arrive $0xFFFF  }
0x169: {  	s6 =	sor.u32 $0x1C0D, s6;
	s24 =	rddreg [dreg:$0xc]  }
0x16a: {  	s13 =	simm.s32 $0xD;
	s10 =	rddreg [dreg:$0x18];
	s7 =	sshrl.u32 s24, $0x3  }
0x16b: {  	[hbm:s10], [sflag:s6] =	dma.local [spmem:s7], $0x2700  }
0x16c: {  	_ =	swait.ge [sflag:s13], $0x2700  }
0x16d: {  	[sflag:s13] =	ssyncset.done $0x0;
	s7 =	rddreg [dreg:$0x13]  }
0x16e: {  	s24 =	rddreg [dreg:$0x19];
	[sflag:s13] =	ssyncadd.s32 $0xFFFFD900;
	s7 =	sshrl.u32 @!p0 s7, $0x3  }
0x16f: {  	[hbm:s24], [sflag:s6] =	dma.local @!p0 [spmem:s7], $0x100  }
0x170: {  	s6 =	simm.s32 @!p0 $0xD  }
0x171: {  	_ =	swait.ge @!p0 [sflag:s6], $0x100  }
0x172: {  	s19 =	rddreg [dreg:$0x1b]  }
0x173: {  	s24 =	rddreg [dreg:$0x1a];
	s10 =	sadd.s32 $0x1, s19  }
0x174: {  	p2 =	sne.s32 s10, s24  }
.Ltmp2:
0x175: {  	_ = 	snop;
	(pc) =	sbr.rel @p2 .LBB2_1-.Ltmp2, $3  }
0x176: {  	_ =	sdelay $0x1  }
0x177: {  	[sflag:s6] =	ssyncset.done @!p0 $0x0  }
0x178: {  	[sflag:s6] =	ssyncadd.s32 @!p0 $0xFFFFFF00  }
0x179: {  	_ =	sfence.sel $0x180000  }
0x17a: {  	[bflag:$0x0] =	sbarrier.arrive $0xFFFF  }
0x17b: {  	_ =	strace $0x90000047  }
0x17c: {  	s0 =	stileid.u32;
	[bflag:$0x2] =	sbarrier.arrive $0xFFFF  }
0x17d: {  	p0 =	sne.s32 s0, $0x0;
	s0 =	rddreg [dreg:$0x4]  }
0x17e: {  	s0 =	sadd.s32 @!p0 $0x100000, s0  }
0x17f: {  	[sflag:s0] =	ssyncadd.tile.s32 @!p0 $0x1;
	_ =	shalt  }
.Lfunc_end2:
_tile_overlayer_lowered:
.L_overlay_start_2:
0x180: {  	(tag) =	ssettag $0x2  }
0x181: {  	s0 =	rddreg [dreg:$0x0];
	s2 =	stileid.u32  }
0x182: {  	s1 =	rddreg [dreg:$0x1];
	p0 =	sne.s32 s2, $0x0  }
0x183: {  	s3 =	rddreg [dreg:$0x2];
	[bflag:$0x3] =	sbarrier.arrive $0xFFFF;
	s2 =	simm.s32 @!p0 $0x1C0D  }
0x184: {  	[timem:s3], [sflag:s2] =	dma.local @!p0 [hbm:s0], s1  }
0x185: {  	s0 =	simm.s32 @!p0 $0xD  }
0x186: {  	_ =	swait.ge @!p0 [sflag:s0], s1  }
0x187: {  	s1 =	ssub.s32 @!p0 $0x0, s1;
	[sflag:s0] =	ssyncset.done @!p0 $0x0  }
0x188: {  	[sflag:s0] =	ssyncadd.s32 @!p0 s1  }
0x189: {  	[bflag:$0x3] =	sbarrier.arrive $0xFFFF  }
0x18a: {  	_ =	shalt  }

</sc_bundles>
